<compile_context>
chip_gen: v7x
topology: tpu7x:2x2x1
jax: 0.10.2.dev20260603
libtpu: 0.0.44.dev20260713+nightly
codegen_flags: <defaults>
</compile_context>

<pallas_src>
import functools

import jax
import jax.numpy as jnp
from jax import lax
from jax.experimental import pallas as pl
from jax.experimental.pallas import tpu as pltpu
from jax.experimental.pallas import tpu_sc as plsc

D = 32
L = 16
NW = 32
PIECE = 256
NBUF = 2


def _normalize_piece(src, dst):

    def group(g, carry):
        lane = lax.broadcasted_iota(jnp.int32, (L,), 0)
        ri = lane + g * L
        cols = []
        parts = [jnp.zeros((L,), jnp.float32) for _ in range(4)]
        for c in range(D):
            ci = (lane + c) & (D - 1)
            v = plsc.load_gather(src, [ri, ci])
            cols.append(v)
            parts[c % 4] = parts[c % 4] + v * v
        acc = (parts[0] + parts[1]) + (parts[2] + parts[3])
        bits = plsc.bitcast(acc, jnp.int32)
        y = plsc.bitcast(jnp.int32(0x5F3759DF) - (bits >> 1), jnp.float32)
        for _ in range(2):
            y = y * (1.5 - 0.5 * acc * y * y)
        scale = jnp.where(acc > 1.0, y, jnp.float32(1.0))
        for c in range(D):
            ci = (lane + c) & (D - 1)
            plsc.store_scatter(dst, [ri, ci], cols[c] * scale)
        return carry

    lax.fori_loop(0, PIECE // L, group, 0)


def kernel(x, table):
    B = x.shape[0] * x.shape[1]
    per_w = B // NW
    npieces = per_w // PIECE
    nouter = npieces // NBUF
    idx3 = x.reshape(NW, npieces, PIECE).astype(jnp.int32)
    mesh = plsc.VectorSubcoreMesh(core_axis_name="c", subcore_axis_name="s")

    rows_t = pltpu.VMEM((PIECE, D), jnp.float32)
    scratch = (
        [pltpu.VMEM((npieces, PIECE), jnp.int32)]
        + [rows_t for _ in range(NBUF)]
        + [rows_t for _ in range(NBUF)]
        + [pltpu.SemaphoreType.DMA for _ in range(2 * NBUF)]
    )

    @functools.partial(
        pl.kernel,
        mesh=mesh,
        out_type=jax.ShapeDtypeStruct((B, D), jnp.float32),
        scratch_types=scratch,
        compiler_params=pltpu.CompilerParams(
            needs_layout_passes=False, use_tc_tiling_on_sc=False
        ),
    )
    def run(idx_hbm, table_hbm, out_hbm, idx_v, *bufs):
        ins = bufs[:NBUF]
        outs = bufs[NBUF:2 * NBUF]
        sin = bufs[2 * NBUF:3 * NBUF]
        sout = bufs[3 * NBUF:4 * NBUF]
        wid = lax.axis_index("s") * 2 + lax.axis_index("c")
        base = wid * per_w
        pltpu.sync_copy(idx_hbm.at[wid], idx_v)

        def gather(piece, b):
            pltpu.async_copy(table_hbm.at[idx_v.at[piece]], ins[b], sin[b])

        for b in range(NBUF):
            gather(b, b)

        def outer(o, carry):
            for b in range(NBUF):
                g = o * NBUF + b
                pltpu.make_async_copy(
                    table_hbm.at[idx_v.at[g]], ins[b], sin[b]
                ).wait()
                _normalize_piece(ins[b], outs[b])

                @pl.when(g + NBUF < npieces)
                def _refill():
                    gather(g + NBUF, b)

                @pl.when(o > 0)
                def _drain():
                    pltpu.make_async_copy(
                        outs[b], out_hbm.at[pl.ds(base, PIECE)], sout[b]
                    ).wait()

                pltpu.async_copy(
                    outs[b], out_hbm.at[pl.ds(base + g * PIECE, PIECE)], sout[b]
                )

            return carry

        lax.fori_loop(0, nouter, outer, 0)
        for b in range(NBUF):
            pltpu.make_async_copy(
                outs[b], out_hbm.at[pl.ds(base, PIECE)], sout[b]
            ).wait()

    return run(idx3, table)

# --- scband reference (transcript-rebuilt; emitter-appended) ---
"""Pipeline reference for scband-gene-extractor-22926535426643 (READ-ONLY COPY).

The authoritative reference and input builder live on the scoring server;
editing this copy changes nothing except your own understanding.
"""

import jax, jax.numpy as jnp
import numpy as np

GENE_WIDTH = 1000000
GENE_EMBED = 32


def setup_inputs(seed: int = 0) -> dict:
    key = jax.random.key(seed)
    k1, k2 = jax.random.split(key)
    x = jax.random.randint(k1, (16384, 20), 0, GENE_WIDTH, dtype=jnp.int64)
    table = jax.random.normal(k2, (GENE_WIDTH, GENE_EMBED), dtype=jnp.float32)
    return {"x": x, "table": table}


def reference(x, table):
    # nn.Embedding(..., max_norm=True): max_norm=True is numerically 1.0.
    # Rows fetched during lookup are renormalized so their L2 norm <= 1.0.
    rows = jnp.take(table, x, axis=0)  # [B, L, D] gather
    norms = jnp.linalg.norm(rows, axis=-1, keepdims=True)
    scale = jnp.where(norms > 1.0, 1.0 / jnp.maximum(norms, 1e-12), 1.0)
    rows = rows * scale
    # torch.reshape(x, (-1, gene_embed))
    out = rows.reshape(-1, GENE_EMBED)
    # dropout is identity in eval mode
    return out

if __name__ == "__main__":
    import jax
    _d = setup_inputs()
    print(jax.jit(kernel)(*tuple(_d.values())))

</pallas_src>

<mosaic_0001>
#map = affine_map<(d0, d1) -> (0, 0, 0)>
#map1 = affine_map<(d0, d1) -> (0, 0)>
module attributes {stable_mosaic.version = 14 : i64} {
  func.func @run(%arg0: i32, %arg1: i32, %arg2: memref<32x40x256xi32, #tpu.memory_space<hbm>>, %arg3: memref<1000000x32xf32, #tpu.memory_space<hbm>>, %arg4: memref<327680x32xf32, #tpu.memory_space<hbm>>, %arg5: memref<40x256xi32, #tpu.memory_space<vmem>>, %arg6: memref<256x32xf32, #tpu.memory_space<vmem>>, %arg7: memref<256x32xf32, #tpu.memory_space<vmem>>, %arg8: memref<256x32xf32, #tpu.memory_space<vmem>>, %arg9: memref<256x32xf32, #tpu.memory_space<vmem>>, %arg10: memref<!tpu.dma_semaphore, #tpu.memory_space<semaphore_mem>>, %arg11: memref<!tpu.dma_semaphore, #tpu.memory_space<semaphore_mem>>, %arg12: memref<!tpu.dma_semaphore, #tpu.memory_space<semaphore_mem>>, %arg13: memref<!tpu.dma_semaphore, #tpu.memory_space<semaphore_mem>>) attributes {dimension_semantics = [#tpu.dimension_semantics<core_parallel>, #tpu.dimension_semantics<subcore_parallel>], iteration_bounds = array<i64: 2, 16>, scalar_prefetch = 0 : i64, scratch_operands = 9 : i64, tpu.core_type = #tpu.core_type<sc_vector_subcore>, window_params = [{transform_indices = #map}, {transform_indices = #map1}, {transform_indices = #map1}]} {
    %mul3A = arith.constant 2 : i32
    %mul3A_0 = arith.muli %arg1, %mul3A : i32
    %add3A = arith.addi %mul3A_0, %arg0 : i32
    %mul3A_1 = arith.constant 10240 : i32
    %mul3A_2 = arith.muli %add3A, %mul3A_1 : i32
    "tpu.region"() ({
      %run_scoped3A = tpu.sem_alloc : memref<!tpu.dma_semaphore, #tpu.memory_space<semaphore_mem>>
      %dma_start3A_28 = arith.constant 0 : i32
      %dma_start3A_29 = arith.constant 0 : i32
      %dma_start3A_30 = tpu.memref_slice %arg2[%add3A, %dma_start3A_28, %dma_start3A_29] : memref<32x40x256xi32, #tpu.memory_space<hbm>> -> memref<1x40x256xi32, #tpu.memory_space<hbm>>
      %dma_start3A_31 = tpu.memref_squeeze %dma_start3A_30 : memref<1x40x256xi32, #tpu.memory_space<hbm>> -> memref<40x256xi32, #tpu.memory_space<hbm>>
      %dma_start3A_32 = arith.constant 0 : i32
      %dma_start3A_33 = arith.constant 0 : i32
      %dma_start3A_34 = tpu.memref_slice %arg2[%add3A, %dma_start3A_32, %dma_start3A_33] : memref<32x40x256xi32, #tpu.memory_space<hbm>> -> memref<1x40x256xi32, #tpu.memory_space<hbm>>
      %dma_start3A_35 = tpu.memref_squeeze %dma_start3A_34 : memref<1x40x256xi32, #tpu.memory_space<hbm>> -> memref<40x256xi32, #tpu.memory_space<hbm>>
      tpu.enqueue_dma source(%dma_start3A_35 : memref<40x256xi32, #tpu.memory_space<hbm>>) target(%arg5 : memref<40x256xi32, #tpu.memory_space<vmem>>) target_semaphore(%run_scoped3A : memref<!tpu.dma_semaphore, #tpu.memory_space<semaphore_mem>>)
      %dma_wait3A_36 = arith.constant 0 : i32
      %dma_wait3A_37 = arith.constant 0 : i32
      %dma_wait3A_38 = tpu.memref_slice %arg2[%add3A, %dma_wait3A_36, %dma_wait3A_37] : memref<32x40x256xi32, #tpu.memory_space<hbm>> -> memref<1x40x256xi32, #tpu.memory_space<hbm>>
      %dma_wait3A_39 = tpu.memref_squeeze %dma_wait3A_38 : memref<1x40x256xi32, #tpu.memory_space<hbm>> -> memref<40x256xi32, #tpu.memory_space<hbm>>
      %dma_wait3A_40 = arith.constant 0 : i32
      %dma_wait3A_41 = arith.constant 0 : i32
      %dma_wait3A_42 = tpu.memref_slice %arg2[%add3A, %dma_wait3A_40, %dma_wait3A_41] : memref<32x40x256xi32, #tpu.memory_space<hbm>> -> memref<1x40x256xi32, #tpu.memory_space<hbm>>
      %dma_wait3A_43 = tpu.memref_squeeze %dma_wait3A_42 : memref<1x40x256xi32, #tpu.memory_space<hbm>> -> memref<40x256xi32, #tpu.memory_space<hbm>>
      tpu.wait_dma2 semaphore(%run_scoped3A : memref<!tpu.dma_semaphore, #tpu.memory_space<semaphore_mem>>) src(%dma_wait3A_43 : memref<40x256xi32, #tpu.memory_space<hbm>>) dst(%arg5 : memref<40x256xi32, #tpu.memory_space<vmem>>)
      tpu.yield
    }) : () -> ()
    %dma_start3A = arith.constant 0 : i32
    %dma_start3A_3 = arith.constant 0 : i32
    %dma_start3A_4 = tpu.memref_slice %arg5[%dma_start3A, %dma_start3A_3] : memref<40x256xi32, #tpu.memory_space<vmem>> -> memref<1x256xi32, #tpu.memory_space<vmem>>
    %dma_start3A_5 = tpu.memref_squeeze %dma_start3A_4 : memref<1x256xi32, #tpu.memory_space<vmem>> -> memref<256xi32, #tpu.memory_space<vmem>>
    %dma_start3A_6 = arith.constant 0 : i32
    %dma_start3A_7 = arith.constant 0 : i32
    %dma_start3A_8 = tpu.memref_slice %arg3[%dma_start3A_6, %dma_start3A_7] : memref<1000000x32xf32, #tpu.memory_space<hbm>> -> memref<1000000x32xf32, #tpu.memory_space<hbm>>
    tpu.enqueue_indirect_dma source(%dma_start3A_8 : memref<1000000x32xf32, #tpu.memory_space<hbm>>) target(%arg6 : memref<256x32xf32, #tpu.memory_space<vmem>>) offsets(%dma_start3A_5 : memref<256xi32, #tpu.memory_space<vmem>>) semaphore(%arg10 : memref<!tpu.dma_semaphore, #tpu.memory_space<semaphore_mem>>)
    %dma_start3A_9 = arith.constant 1 : i32
    %dma_start3A_10 = arith.constant 0 : i32
    %dma_start3A_11 = tpu.memref_slice %arg5[%dma_start3A_9, %dma_start3A_10] : memref<40x256xi32, #tpu.memory_space<vmem>> -> memref<1x256xi32, #tpu.memory_space<vmem>>
    %dma_start3A_12 = tpu.memref_squeeze %dma_start3A_11 : memref<1x256xi32, #tpu.memory_space<vmem>> -> memref<256xi32, #tpu.memory_space<vmem>>
    %dma_start3A_13 = arith.constant 0 : i32
    %dma_start3A_14 = arith.constant 0 : i32
    %dma_start3A_15 = tpu.memref_slice %arg3[%dma_start3A_13, %dma_start3A_14] : memref<1000000x32xf32, #tpu.memory_space<hbm>> -> memref<1000000x32xf32, #tpu.memory_space<hbm>>
    tpu.enqueue_indirect_dma source(%dma_start3A_15 : memref<1000000x32xf32, #tpu.memory_space<hbm>>) target(%arg7 : memref<256x32xf32, #tpu.memory_space<vmem>>) offsets(%dma_start3A_12 : memref<256xi32, #tpu.memory_space<vmem>>) semaphore(%arg11 : memref<!tpu.dma_semaphore, #tpu.memory_space<semaphore_mem>>)
    %scan3A = arith.constant 0 : i32
    %scan3A_16 = arith.constant 0 : i32
    %scan3A_17 = arith.constant 20 : i32
    %scan3A_18 = arith.addi %scan3A_16, %scan3A_17 : i32
    %scan3A_19 = arith.constant 1 : i32
    scf.for %scan3A_28 = %scan3A_16 to %scan3A_18 step %scan3A_19  : i32 {
      %mul3A_29 = arith.constant 2 : i32
      %mul3A_30 = arith.muli %scan3A_28, %mul3A_29 : i32
      %add3A_31 = arith.constant 0 : i32
      %add3A_32 = arith.addi %mul3A_30, %add3A_31 : i32
      %dma_wait3A_33 = arith.constant 0 : i32
      %dma_wait3A_34 = tpu.memref_slice %arg5[%add3A_32, %dma_wait3A_33] : memref<40x256xi32, #tpu.memory_space<vmem>> -> memref<1x256xi32, #tpu.memory_space<vmem>>
      %dma_wait3A_35 = tpu.memref_squeeze %dma_wait3A_34 : memref<1x256xi32, #tpu.memory_space<vmem>> -> memref<256xi32, #tpu.memory_space<vmem>>
      %dma_wait3A_36 = arith.constant 0 : i32
      %dma_wait3A_37 = arith.constant 0 : i32
      %dma_wait3A_38 = tpu.memref_slice %arg3[%dma_wait3A_36, %dma_wait3A_37] : memref<1000000x32xf32, #tpu.memory_space<hbm>> -> memref<1000000x32xf32, #tpu.memory_space<hbm>>
      tpu.wait_indirect_dma semaphore(%arg10 : memref<!tpu.dma_semaphore, #tpu.memory_space<semaphore_mem>>) src(%dma_wait3A_38 : memref<1000000x32xf32, #tpu.memory_space<hbm>>) dst(%arg6 : memref<256x32xf32, #tpu.memory_space<vmem>>)
      %scan3A_39 = arith.constant 0 : i32
      %scan3A_40 = arith.constant 0 : i32
      %scan3A_41 = arith.constant 16 : i32
      %scan3A_42 = arith.addi %scan3A_40, %scan3A_41 : i32
      %scan3A_43 = arith.constant 1 : i32
      scf.for %scan3A_95 = %scan3A_40 to %scan3A_42 step %scan3A_43  : i32 {
        %iota3A = tpu.iota {dimensions = array<i32: 0>} : vector<16xi32>
        %mul3A_96 = arith.constant 16 : i32
        %mul3A_97 = arith.muli %scan3A_95, %mul3A_96 : i32
        %add3A_98 = vector.broadcast %mul3A_97 : i32 to vector<16xi32>
        %add3A_99 = arith.addi %iota3A, %add3A_98 : vector<16xi32>
        %broadcast_in_dim3A = arith.constant 0.000000e+00 : f32
        %broadcast_in_dim3A_100 = vector.broadcast %broadcast_in_dim3A : f32 to vector<16xf32>
        %broadcast_in_dim3A_101 = arith.constant 0.000000e+00 : f32
        %broadcast_in_dim3A_102 = vector.broadcast %broadcast_in_dim3A_101 : f32 to vector<16xf32>
        %broadcast_in_dim3A_103 = arith.constant 0.000000e+00 : f32
        %broadcast_in_dim3A_104 = vector.broadcast %broadcast_in_dim3A_103 : f32 to vector<16xf32>
        %broadcast_in_dim3A_105 = arith.constant 0.000000e+00 : f32
        %broadcast_in_dim3A_106 = vector.broadcast %broadcast_in_dim3A_105 : f32 to vector<16xf32>
        %add3A_107 = arith.constant 0 : i32
        %add3A_108 = vector.broadcast %add3A_107 : i32 to vector<16xi32>
        %add3A_109 = arith.addi %iota3A, %add3A_108 : vector<16xi32>
        %and3A = arith.constant 31 : i32
        %and3A_110 = vector.broadcast %and3A : i32 to vector<16xi32>
        %and3A_111 = arith.andi %add3A_109, %and3A_110 : vector<16xi32>
        %gather3A = tpu.vector_load_idx %arg6[%add3A_99, %and3A_111] : memref<256x32xf32, #tpu.memory_space<vmem>>[vector<16xi32>, vector<16xi32>], vector<16xf32>,
        %mul3A_112 = arith.mulf %gather3A, %gather3A : vector<16xf32>
        %add3A_113 = arith.addf %broadcast_in_dim3A_100, %mul3A_112 : vector<16xf32>
        %add3A_114 = arith.constant 1 : i32
        %add3A_115 = vector.broadcast %add3A_114 : i32 to vector<16xi32>
        %add3A_116 = arith.addi %iota3A, %add3A_115 : vector<16xi32>
        %and3A_117 = arith.constant 31 : i32
        %and3A_118 = vector.broadcast %and3A_117 : i32 to vector<16xi32>
        %and3A_119 = arith.andi %add3A_116, %and3A_118 : vector<16xi32>
        %gather3A_120 = tpu.vector_load_idx %arg6[%add3A_99, %and3A_119] : memref<256x32xf32, #tpu.memory_space<vmem>>[vector<16xi32>, vector<16xi32>], vector<16xf32>,
        %mul3A_121 = arith.mulf %gather3A_120, %gather3A_120 : vector<16xf32>
        %add3A_122 = arith.addf %broadcast_in_dim3A_102, %mul3A_121 : vector<16xf32>
        %add3A_123 = arith.constant 2 : i32
        %add3A_124 = vector.broadcast %add3A_123 : i32 to vector<16xi32>
        %add3A_125 = arith.addi %iota3A, %add3A_124 : vector<16xi32>
        %and3A_126 = arith.constant 31 : i32
        %and3A_127 = vector.broadcast %and3A_126 : i32 to vector<16xi32>
        %and3A_128 = arith.andi %add3A_125, %and3A_127 : vector<16xi32>
        %gather3A_129 = tpu.vector_load_idx %arg6[%add3A_99, %and3A_128] : memref<256x32xf32, #tpu.memory_space<vmem>>[vector<16xi32>, vector<16xi32>], vector<16xf32>,
        %mul3A_130 = arith.mulf %gather3A_129, %gather3A_129 : vector<16xf32>
        %add3A_131 = arith.addf %broadcast_in_dim3A_104, %mul3A_130 : vector<16xf32>
        %add3A_132 = arith.constant 3 : i32
        %add3A_133 = vector.broadcast %add3A_132 : i32 to vector<16xi32>
        %add3A_134 = arith.addi %iota3A, %add3A_133 : vector<16xi32>
        %and3A_135 = arith.constant 31 : i32
        %and3A_136 = vector.broadcast %and3A_135 : i32 to vector<16xi32>
        %and3A_137 = arith.andi %add3A_134, %and3A_136 : vector<16xi32>
        %gather3A_138 = tpu.vector_load_idx %arg6[%add3A_99, %and3A_137] : memref<256x32xf32, #tpu.memory_space<vmem>>[vector<16xi32>, vector<16xi32>], vector<16xf32>,
        %mul3A_139 = arith.mulf %gather3A_138, %gather3A_138 : vector<16xf32>
        %add3A_140 = arith.addf %broadcast_in_dim3A_106, %mul3A_139 : vector<16xf32>
        %add3A_141 = arith.constant 4 : i32
        %add3A_142 = vector.broadcast %add3A_141 : i32 to vector<16xi32>
        %add3A_143 = arith.addi %iota3A, %add3A_142 : vector<16xi32>
        %and3A_144 = arith.constant 31 : i32
        %and3A_145 = vector.broadcast %and3A_144 : i32 to vector<16xi32>
        %and3A_146 = arith.andi %add3A_143, %and3A_145 : vector<16xi32>
        %gather3A_147 = tpu.vector_load_idx %arg6[%add3A_99, %and3A_146] : memref<256x32xf32, #tpu.memory_space<vmem>>[vector<16xi32>, vector<16xi32>], vector<16xf32>,
        %mul3A_148 = arith.mulf %gather3A_147, %gather3A_147 : vector<16xf32>
        %add3A_149 = arith.addf %add3A_113, %mul3A_148 : vector<16xf32>
        %add3A_150 = arith.constant 5 : i32
        %add3A_151 = vector.broadcast %add3A_150 : i32 to vector<16xi32>
        %add3A_152 = arith.addi %iota3A, %add3A_151 : vector<16xi32>
        %and3A_153 = arith.constant 31 : i32
        %and3A_154 = vector.broadcast %and3A_153 : i32 to vector<16xi32>
        %and3A_155 = arith.andi %add3A_152, %and3A_154 : vector<16xi32>
        %gather3A_156 = tpu.vector_load_idx %arg6[%add3A_99, %and3A_155] : memref<256x32xf32, #tpu.memory_space<vmem>>[vector<16xi32>, vector<16xi32>], vector<16xf32>,
        %mul3A_157 = arith.mulf %gather3A_156, %gather3A_156 : vector<16xf32>
        %add3A_158 = arith.addf %add3A_122, %mul3A_157 : vector<16xf32>
        %add3A_159 = arith.constant 6 : i32
        %add3A_160 = vector.broadcast %add3A_159 : i32 to vector<16xi32>
        %add3A_161 = arith.addi %iota3A, %add3A_160 : vector<16xi32>
        %and3A_162 = arith.constant 31 : i32
        %and3A_163 = vector.broadcast %and3A_162 : i32 to vector<16xi32>
        %and3A_164 = arith.andi %add3A_161, %and3A_163 : vector<16xi32>
        %gather3A_165 = tpu.vector_load_idx %arg6[%add3A_99, %and3A_164] : memref<256x32xf32, #tpu.memory_space<vmem>>[vector<16xi32>, vector<16xi32>], vector<16xf32>,
        %mul3A_166 = arith.mulf %gather3A_165, %gather3A_165 : vector<16xf32>
        %add3A_167 = arith.addf %add3A_131, %mul3A_166 : vector<16xf32>
        %add3A_168 = arith.constant 7 : i32
        %add3A_169 = vector.broadcast %add3A_168 : i32 to vector<16xi32>
        %add3A_170 = arith.addi %iota3A, %add3A_169 : vector<16xi32>
        %and3A_171 = arith.constant 31 : i32
        %and3A_172 = vector.broadcast %and3A_171 : i32 to vector<16xi32>
        %and3A_173 = arith.andi %add3A_170, %and3A_172 : vector<16xi32>
        %gather3A_174 = tpu.vector_load_idx %arg6[%add3A_99, %and3A_173] : memref<256x32xf32, #tpu.memory_space<vmem>>[vector<16xi32>, vector<16xi32>], vector<16xf32>,
        %mul3A_175 = arith.mulf %gather3A_174, %gather3A_174 : vector<16xf32>
        %add3A_176 = arith.addf %add3A_140, %mul3A_175 : vector<16xf32>
        %add3A_177 = arith.constant 8 : i32
        %add3A_178 = vector.broadcast %add3A_177 : i32 to vector<16xi32>
        %add3A_179 = arith.addi %iota3A, %add3A_178 : vector<16xi32>
        %and3A_180 = arith.constant 31 : i32
        %and3A_181 = vector.broadcast %and3A_180 : i32 to vector<16xi32>
        %and3A_182 = arith.andi %add3A_179, %and3A_181 : vector<16xi32>
        %gather3A_183 = tpu.vector_load_idx %arg6[%add3A_99, %and3A_182] : memref<256x32xf32, #tpu.memory_space<vmem>>[vector<16xi32>, vector<16xi32>], vector<16xf32>,
        %mul3A_184 = arith.mulf %gather3A_183, %gather3A_183 : vector<16xf32>
        %add3A_185 = arith.addf %add3A_149, %mul3A_184 : vector<16xf32>
        %add3A_186 = arith.constant 9 : i32
        %add3A_187 = vector.broadcast %add3A_186 : i32 to vector<16xi32>
        %add3A_188 = arith.addi %iota3A, %add3A_187 : vector<16xi32>
        %and3A_189 = arith.constant 31 : i32
        %and3A_190 = vector.broadcast %and3A_189 : i32 to vector<16xi32>
        %and3A_191 = arith.andi %add3A_188, %and3A_190 : vector<16xi32>
        %gather3A_192 = tpu.vector_load_idx %arg6[%add3A_99, %and3A_191] : memref<256x32xf32, #tpu.memory_space<vmem>>[vector<16xi32>, vector<16xi32>], vector<16xf32>,
        %mul3A_193 = arith.mulf %gather3A_192, %gather3A_192 : vector<16xf32>
        %add3A_194 = arith.addf %add3A_158, %mul3A_193 : vector<16xf32>
        %add3A_195 = arith.constant 10 : i32
        %add3A_196 = vector.broadcast %add3A_195 : i32 to vector<16xi32>
        %add3A_197 = arith.addi %iota3A, %add3A_196 : vector<16xi32>
        %and3A_198 = arith.constant 31 : i32
        %and3A_199 = vector.broadcast %and3A_198 : i32 to vector<16xi32>
        %and3A_200 = arith.andi %add3A_197, %and3A_199 : vector<16xi32>
        %gather3A_201 = tpu.vector_load_idx %arg6[%add3A_99, %and3A_200] : memref<256x32xf32, #tpu.memory_space<vmem>>[vector<16xi32>, vector<16xi32>], vector<16xf32>,
        %mul3A_202 = arith.mulf %gather3A_201, %gather3A_201 : vector<16xf32>
        %add3A_203 = arith.addf %add3A_167, %mul3A_202 : vector<16xf32>
        %add3A_204 = arith.constant 11 : i32
        %add3A_205 = vector.broadcast %add3A_204 : i32 to vector<16xi32>
        %add3A_206 = arith.addi %iota3A, %add3A_205 : vector<16xi32>
        %and3A_207 = arith.constant 31 : i32
        %and3A_208 = vector.broadcast %and3A_207 : i32 to vector<16xi32>
        %and3A_209 = arith.andi %add3A_206, %and3A_208 : vector<16xi32>
        %gather3A_210 = tpu.vector_load_idx %arg6[%add3A_99, %and3A_209] : memref<256x32xf32, #tpu.memory_space<vmem>>[vector<16xi32>, vector<16xi32>], vector<16xf32>,
        %mul3A_211 = arith.mulf %gather3A_210, %gather3A_210 : vector<16xf32>
        %add3A_212 = arith.addf %add3A_176, %mul3A_211 : vector<16xf32>
        %add3A_213 = arith.constant 12 : i32
        %add3A_214 = vector.broadcast %add3A_213 : i32 to vector<16xi32>
        %add3A_215 = arith.addi %iota3A, %add3A_214 : vector<16xi32>
        %and3A_216 = arith.constant 31 : i32
        %and3A_217 = vector.broadcast %and3A_216 : i32 to vector<16xi32>
        %and3A_218 = arith.andi %add3A_215, %and3A_217 : vector<16xi32>
        %gather3A_219 = tpu.vector_load_idx %arg6[%add3A_99, %and3A_218] : memref<256x32xf32, #tpu.memory_space<vmem>>[vector<16xi32>, vector<16xi32>], vector<16xf32>,
        %mul3A_220 = arith.mulf %gather3A_219, %gather3A_219 : vector<16xf32>
        %add3A_221 = arith.addf %add3A_185, %mul3A_220 : vector<16xf32>
        %add3A_222 = arith.constant 13 : i32
        %add3A_223 = vector.broadcast %add3A_222 : i32 to vector<16xi32>
        %add3A_224 = arith.addi %iota3A, %add3A_223 : vector<16xi32>
        %and3A_225 = arith.constant 31 : i32
        %and3A_226 = vector.broadcast %and3A_225 : i32 to vector<16xi32>
        %and3A_227 = arith.andi %add3A_224, %and3A_226 : vector<16xi32>
        %gather3A_228 = tpu.vector_load_idx %arg6[%add3A_99, %and3A_227] : memref<256x32xf32, #tpu.memory_space<vmem>>[vector<16xi32>, vector<16xi32>], vector<16xf32>,
        %mul3A_229 = arith.mulf %gather3A_228, %gather3A_228 : vector<16xf32>
        %add3A_230 = arith.addf %add3A_194, %mul3A_229 : vector<16xf32>
        %add3A_231 = arith.constant 14 : i32
        %add3A_232 = vector.broadcast %add3A_231 : i32 to vector<16xi32>
        %add3A_233 = arith.addi %iota3A, %add3A_232 : vector<16xi32>
        %and3A_234 = arith.constant 31 : i32
        %and3A_235 = vector.broadcast %and3A_234 : i32 to vector<16xi32>
        %and3A_236 = arith.andi %add3A_233, %and3A_235 : vector<16xi32>
        %gather3A_237 = tpu.vector_load_idx %arg6[%add3A_99, %and3A_236] : memref<256x32xf32, #tpu.memory_space<vmem>>[vector<16xi32>, vector<16xi32>], vector<16xf32>,
        %mul3A_238 = arith.mulf %gather3A_237, %gather3A_237 : vector<16xf32>
        %add3A_239 = arith.addf %add3A_203, %mul3A_238 : vector<16xf32>
        %add3A_240 = arith.constant 15 : i32
        %add3A_241 = vector.broadcast %add3A_240 : i32 to vector<16xi32>
        %add3A_242 = arith.addi %iota3A, %add3A_241 : vector<16xi32>
        %and3A_243 = arith.constant 31 : i32
        %and3A_244 = vector.broadcast %and3A_243 : i32 to vector<16xi32>
        %and3A_245 = arith.andi %add3A_242, %and3A_244 : vector<16xi32>
        %gather3A_246 = tpu.vector_load_idx %arg6[%add3A_99, %and3A_245] : memref<256x32xf32, #tpu.memory_space<vmem>>[vector<16xi32>, vector<16xi32>], vector<16xf32>,
        %mul3A_247 = arith.mulf %gather3A_246, %gather3A_246 : vector<16xf32>
        %add3A_248 = arith.addf %add3A_212, %mul3A_247 : vector<16xf32>
        %add3A_249 = arith.constant 16 : i32
        %add3A_250 = vector.broadcast %add3A_249 : i32 to vector<16xi32>
        %add3A_251 = arith.addi %iota3A, %add3A_250 : vector<16xi32>
        %and3A_252 = arith.constant 31 : i32
        %and3A_253 = vector.broadcast %and3A_252 : i32 to vector<16xi32>
        %and3A_254 = arith.andi %add3A_251, %and3A_253 : vector<16xi32>
        %gather3A_255 = tpu.vector_load_idx %arg6[%add3A_99, %and3A_254] : memref<256x32xf32, #tpu.memory_space<vmem>>[vector<16xi32>, vector<16xi32>], vector<16xf32>,
        %mul3A_256 = arith.mulf %gather3A_255, %gather3A_255 : vector<16xf32>
        %add3A_257 = arith.addf %add3A_221, %mul3A_256 : vector<16xf32>
        %add3A_258 = arith.constant 17 : i32
        %add3A_259 = vector.broadcast %add3A_258 : i32 to vector<16xi32>
        %add3A_260 = arith.addi %iota3A, %add3A_259 : vector<16xi32>
        %and3A_261 = arith.constant 31 : i32
        %and3A_262 = vector.broadcast %and3A_261 : i32 to vector<16xi32>
        %and3A_263 = arith.andi %add3A_260, %and3A_262 : vector<16xi32>
        %gather3A_264 = tpu.vector_load_idx %arg6[%add3A_99, %and3A_263] : memref<256x32xf32, #tpu.memory_space<vmem>>[vector<16xi32>, vector<16xi32>], vector<16xf32>,
        %mul3A_265 = arith.mulf %gather3A_264, %gather3A_264 : vector<16xf32>
        %add3A_266 = arith.addf %add3A_230, %mul3A_265 : vector<16xf32>
        %add3A_267 = arith.constant 18 : i32
        %add3A_268 = vector.broadcast %add3A_267 : i32 to vector<16xi32>
        %add3A_269 = arith.addi %iota3A, %add3A_268 : vector<16xi32>
        %and3A_270 = arith.constant 31 : i32
        %and3A_271 = vector.broadcast %and3A_270 : i32 to vector<16xi32>
        %and3A_272 = arith.andi %add3A_269, %and3A_271 : vector<16xi32>
        %gather3A_273 = tpu.vector_load_idx %arg6[%add3A_99, %and3A_272] : memref<256x32xf32, #tpu.memory_space<vmem>>[vector<16xi32>, vector<16xi32>], vector<16xf32>,
        %mul3A_274 = arith.mulf %gather3A_273, %gather3A_273 : vector<16xf32>
        %add3A_275 = arith.addf %add3A_239, %mul3A_274 : vector<16xf32>
        %add3A_276 = arith.constant 19 : i32
        %add3A_277 = vector.broadcast %add3A_276 : i32 to vector<16xi32>
        %add3A_278 = arith.addi %iota3A, %add3A_277 : vector<16xi32>
        %and3A_279 = arith.constant 31 : i32
        %and3A_280 = vector.broadcast %and3A_279 : i32 to vector<16xi32>
        %and3A_281 = arith.andi %add3A_278, %and3A_280 : vector<16xi32>
        %gather3A_282 = tpu.vector_load_idx %arg6[%add3A_99, %and3A_281] : memref<256x32xf32, #tpu.memory_space<vmem>>[vector<16xi32>, vector<16xi32>], vector<16xf32>,
        %mul3A_283 = arith.mulf %gather3A_282, %gather3A_282 : vector<16xf32>
        %add3A_284 = arith.addf %add3A_248, %mul3A_283 : vector<16xf32>
        %add3A_285 = arith.constant 20 : i32
        %add3A_286 = vector.broadcast %add3A_285 : i32 to vector<16xi32>
        %add3A_287 = arith.addi %iota3A, %add3A_286 : vector<16xi32>
        %and3A_288 = arith.constant 31 : i32
        %and3A_289 = vector.broadcast %and3A_288 : i32 to vector<16xi32>
        %and3A_290 = arith.andi %add3A_287, %and3A_289 : vector<16xi32>
        %gather3A_291 = tpu.vector_load_idx %arg6[%add3A_99, %and3A_290] : memref<256x32xf32, #tpu.memory_space<vmem>>[vector<16xi32>, vector<16xi32>], vector<16xf32>,
        %mul3A_292 = arith.mulf %gather3A_291, %gather3A_291 : vector<16xf32>
        %add3A_293 = arith.addf %add3A_257, %mul3A_292 : vector<16xf32>
        %add3A_294 = arith.constant 21 : i32
        %add3A_295 = vector.broadcast %add3A_294 : i32 to vector<16xi32>
        %add3A_296 = arith.addi %iota3A, %add3A_295 : vector<16xi32>
        %and3A_297 = arith.constant 31 : i32
        %and3A_298 = vector.broadcast %and3A_297 : i32 to vector<16xi32>
        %and3A_299 = arith.andi %add3A_296, %and3A_298 : vector<16xi32>
        %gather3A_300 = tpu.vector_load_idx %arg6[%add3A_99, %and3A_299] : memref<256x32xf32, #tpu.memory_space<vmem>>[vector<16xi32>, vector<16xi32>], vector<16xf32>,
        %mul3A_301 = arith.mulf %gather3A_300, %gather3A_300 : vector<16xf32>
        %add3A_302 = arith.addf %add3A_266, %mul3A_301 : vector<16xf32>
        %add3A_303 = arith.constant 22 : i32
        %add3A_304 = vector.broadcast %add3A_303 : i32 to vector<16xi32>
        %add3A_305 = arith.addi %iota3A, %add3A_304 : vector<16xi32>
        %and3A_306 = arith.constant 31 : i32
        %and3A_307 = vector.broadcast %and3A_306 : i32 to vector<16xi32>
        %and3A_308 = arith.andi %add3A_305, %and3A_307 : vector<16xi32>
        %gather3A_309 = tpu.vector_load_idx %arg6[%add3A_99, %and3A_308] : memref<256x32xf32, #tpu.memory_space<vmem>>[vector<16xi32>, vector<16xi32>], vector<16xf32>,
        %mul3A_310 = arith.mulf %gather3A_309, %gather3A_309 : vector<16xf32>
        %add3A_311 = arith.addf %add3A_275, %mul3A_310 : vector<16xf32>
        %add3A_312 = arith.constant 23 : i32
        %add3A_313 = vector.broadcast %add3A_312 : i32 to vector<16xi32>
        %add3A_314 = arith.addi %iota3A, %add3A_313 : vector<16xi32>
        %and3A_315 = arith.constant 31 : i32
        %and3A_316 = vector.broadcast %and3A_315 : i32 to vector<16xi32>
        %and3A_317 = arith.andi %add3A_314, %and3A_316 : vector<16xi32>
        %gather3A_318 = tpu.vector_load_idx %arg6[%add3A_99, %and3A_317] : memref<256x32xf32, #tpu.memory_space<vmem>>[vector<16xi32>, vector<16xi32>], vector<16xf32>,
        %mul3A_319 = arith.mulf %gather3A_318, %gather3A_318 : vector<16xf32>
        %add3A_320 = arith.addf %add3A_284, %mul3A_319 : vector<16xf32>
        %add3A_321 = arith.constant 24 : i32
        %add3A_322 = vector.broadcast %add3A_321 : i32 to vector<16xi32>
        %add3A_323 = arith.addi %iota3A, %add3A_322 : vector<16xi32>
        %and3A_324 = arith.constant 31 : i32
        %and3A_325 = vector.broadcast %and3A_324 : i32 to vector<16xi32>
        %and3A_326 = arith.andi %add3A_323, %and3A_325 : vector<16xi32>
        %gather3A_327 = tpu.vector_load_idx %arg6[%add3A_99, %and3A_326] : memref<256x32xf32, #tpu.memory_space<vmem>>[vector<16xi32>, vector<16xi32>], vector<16xf32>,
        %mul3A_328 = arith.mulf %gather3A_327, %gather3A_327 : vector<16xf32>
        %add3A_329 = arith.addf %add3A_293, %mul3A_328 : vector<16xf32>
        %add3A_330 = arith.constant 25 : i32
        %add3A_331 = vector.broadcast %add3A_330 : i32 to vector<16xi32>
        %add3A_332 = arith.addi %iota3A, %add3A_331 : vector<16xi32>
        %and3A_333 = arith.constant 31 : i32
        %and3A_334 = vector.broadcast %and3A_333 : i32 to vector<16xi32>
        %and3A_335 = arith.andi %add3A_332, %and3A_334 : vector<16xi32>
        %gather3A_336 = tpu.vector_load_idx %arg6[%add3A_99, %and3A_335] : memref<256x32xf32, #tpu.memory_space<vmem>>[vector<16xi32>, vector<16xi32>], vector<16xf32>,
        %mul3A_337 = arith.mulf %gather3A_336, %gather3A_336 : vector<16xf32>
        %add3A_338 = arith.addf %add3A_302, %mul3A_337 : vector<16xf32>
        %add3A_339 = arith.constant 26 : i32
        %add3A_340 = vector.broadcast %add3A_339 : i32 to vector<16xi32>
        %add3A_341 = arith.addi %iota3A, %add3A_340 : vector<16xi32>
        %and3A_342 = arith.constant 31 : i32
        %and3A_343 = vector.broadcast %and3A_342 : i32 to vector<16xi32>
        %and3A_344 = arith.andi %add3A_341, %and3A_343 : vector<16xi32>
        %gather3A_345 = tpu.vector_load_idx %arg6[%add3A_99, %and3A_344] : memref<256x32xf32, #tpu.memory_space<vmem>>[vector<16xi32>, vector<16xi32>], vector<16xf32>,
        %mul3A_346 = arith.mulf %gather3A_345, %gather3A_345 : vector<16xf32>
        %add3A_347 = arith.addf %add3A_311, %mul3A_346 : vector<16xf32>
        %add3A_348 = arith.constant 27 : i32
        %add3A_349 = vector.broadcast %add3A_348 : i32 to vector<16xi32>
        %add3A_350 = arith.addi %iota3A, %add3A_349 : vector<16xi32>
        %and3A_351 = arith.constant 31 : i32
        %and3A_352 = vector.broadcast %and3A_351 : i32 to vector<16xi32>
        %and3A_353 = arith.andi %add3A_350, %and3A_352 : vector<16xi32>
        %gather3A_354 = tpu.vector_load_idx %arg6[%add3A_99, %and3A_353] : memref<256x32xf32, #tpu.memory_space<vmem>>[vector<16xi32>, vector<16xi32>], vector<16xf32>,
        %mul3A_355 = arith.mulf %gather3A_354, %gather3A_354 : vector<16xf32>
        %add3A_356 = arith.addf %add3A_320, %mul3A_355 : vector<16xf32>
        %add3A_357 = arith.constant 28 : i32
        %add3A_358 = vector.broadcast %add3A_357 : i32 to vector<16xi32>
        %add3A_359 = arith.addi %iota3A, %add3A_358 : vector<16xi32>
        %and3A_360 = arith.constant 31 : i32
        %and3A_361 = vector.broadcast %and3A_360 : i32 to vector<16xi32>
        %and3A_362 = arith.andi %add3A_359, %and3A_361 : vector<16xi32>
        %gather3A_363 = tpu.vector_load_idx %arg6[%add3A_99, %and3A_362] : memref<256x32xf32, #tpu.memory_space<vmem>>[vector<16xi32>, vector<16xi32>], vector<16xf32>,
        %mul3A_364 = arith.mulf %gather3A_363, %gather3A_363 : vector<16xf32>
        %add3A_365 = arith.addf %add3A_329, %mul3A_364 : vector<16xf32>
        %add3A_366 = arith.constant 29 : i32
        %add3A_367 = vector.broadcast %add3A_366 : i32 to vector<16xi32>
        %add3A_368 = arith.addi %iota3A, %add3A_367 : vector<16xi32>
        %and3A_369 = arith.constant 31 : i32
        %and3A_370 = vector.broadcast %and3A_369 : i32 to vector<16xi32>
        %and3A_371 = arith.andi %add3A_368, %and3A_370 : vector<16xi32>
        %gather3A_372 = tpu.vector_load_idx %arg6[%add3A_99, %and3A_371] : memref<256x32xf32, #tpu.memory_space<vmem>>[vector<16xi32>, vector<16xi32>], vector<16xf32>,
        %mul3A_373 = arith.mulf %gather3A_372, %gather3A_372 : vector<16xf32>
        %add3A_374 = arith.addf %add3A_338, %mul3A_373 : vector<16xf32>
        %add3A_375 = arith.constant 30 : i32
        %add3A_376 = vector.broadcast %add3A_375 : i32 to vector<16xi32>
        %add3A_377 = arith.addi %iota3A, %add3A_376 : vector<16xi32>
        %and3A_378 = arith.constant 31 : i32
        %and3A_379 = vector.broadcast %and3A_378 : i32 to vector<16xi32>
        %and3A_380 = arith.andi %add3A_377, %and3A_379 : vector<16xi32>
        %gather3A_381 = tpu.vector_load_idx %arg6[%add3A_99, %and3A_380] : memref<256x32xf32, #tpu.memory_space<vmem>>[vector<16xi32>, vector<16xi32>], vector<16xf32>,
        %mul3A_382 = arith.mulf %gather3A_381, %gather3A_381 : vector<16xf32>
        %add3A_383 = arith.addf %add3A_347, %mul3A_382 : vector<16xf32>
        %add3A_384 = arith.constant 31 : i32
        %add3A_385 = vector.broadcast %add3A_384 : i32 to vector<16xi32>
        %add3A_386 = arith.addi %iota3A, %add3A_385 : vector<16xi32>
        %and3A_387 = arith.constant 31 : i32
        %and3A_388 = vector.broadcast %and3A_387 : i32 to vector<16xi32>
        %and3A_389 = arith.andi %add3A_386, %and3A_388 : vector<16xi32>
        %gather3A_390 = tpu.vector_load_idx %arg6[%add3A_99, %and3A_389] : memref<256x32xf32, #tpu.memory_space<vmem>>[vector<16xi32>, vector<16xi32>], vector<16xf32>,
        %mul3A_391 = arith.mulf %gather3A_390, %gather3A_390 : vector<16xf32>
        %add3A_392 = arith.addf %add3A_356, %mul3A_391 : vector<16xf32>
        %add3A_393 = arith.addf %add3A_365, %add3A_374 : vector<16xf32>
        %add3A_394 = arith.addf %add3A_383, %add3A_392 : vector<16xf32>
        %add3A_395 = arith.addf %add3A_393, %add3A_394 : vector<16xf32>
        %bitcast3A = vector.bitcast %add3A_395 : vector<16xf32> to vector<16xi32>
        %shift_right_arithmetic3A = arith.constant 1 : i32
        %shift_right_arithmetic3A_396 = vector.broadcast %shift_right_arithmetic3A : i32 to vector<16xi32>
        %shift_right_arithmetic3A_397 = arith.shrsi %bitcast3A, %shift_right_arithmetic3A_396 : vector<16xi32>
        %sub3A = arith.constant 1597463007 : i32
        %sub3A_398 = vector.broadcast %sub3A : i32 to vector<16xi32>
        %sub3A_399 = arith.subi %sub3A_398, %shift_right_arithmetic3A_397 : vector<16xi32>
        %bitcast3A_400 = vector.bitcast %sub3A_399 : vector<16xi32> to vector<16xf32>
        %mul3A_401 = arith.constant 5.000000e-01 : f32
        %mul3A_402 = vector.broadcast %mul3A_401 : f32 to vector<16xf32>
        %mul3A_403 = arith.mulf %mul3A_402, %add3A_395 : vector<16xf32>
        %mul3A_404 = arith.mulf %mul3A_403, %bitcast3A_400 : vector<16xf32>
        %mul3A_405 = arith.mulf %mul3A_404, %bitcast3A_400 : vector<16xf32>
        %sub3A_406 = arith.constant 1.500000e+00 : f32
        %sub3A_407 = vector.broadcast %sub3A_406 : f32 to vector<16xf32>
        %sub3A_408 = arith.subf %sub3A_407, %mul3A_405 : vector<16xf32>
        %mul3A_409 = arith.mulf %bitcast3A_400, %sub3A_408 : vector<16xf32>
        %mul3A_410 = arith.constant 5.000000e-01 : f32
        %mul3A_411 = vector.broadcast %mul3A_410 : f32 to vector<16xf32>
        %mul3A_412 = arith.mulf %mul3A_411, %add3A_395 : vector<16xf32>
        %mul3A_413 = arith.mulf %mul3A_412, %mul3A_409 : vector<16xf32>
        %mul3A_414 = arith.mulf %mul3A_413, %mul3A_409 : vector<16xf32>
        %sub3A_415 = arith.constant 1.500000e+00 : f32
        %sub3A_416 = vector.broadcast %sub3A_415 : f32 to vector<16xf32>
        %sub3A_417 = arith.subf %sub3A_416, %mul3A_414 : vector<16xf32>
        %mul3A_418 = arith.mulf %mul3A_409, %sub3A_417 : vector<16xf32>
        %gt3A_419 = arith.constant 1.000000e+00 : f32
        %gt3A_420 = vector.broadcast %gt3A_419 : f32 to vector<16xf32>
        %gt3A_421 = arith.cmpf ogt, %add3A_395, %gt3A_420 : vector<16xf32>
        %jit3A = arith.constant 1.000000e+00 : f32
        %broadcast_in_dim3A_422 = vector.broadcast %jit3A : f32 to vector<16xf32>
        %select_n3A = arith.select %gt3A_421, %mul3A_418, %broadcast_in_dim3A_422 : vector<16xi1>, vector<16xf32>
        %add3A_423 = arith.constant 0 : i32
        %add3A_424 = vector.broadcast %add3A_423 : i32 to vector<16xi32>
        %add3A_425 = arith.addi %iota3A, %add3A_424 : vector<16xi32>
        %and3A_426 = arith.constant 31 : i32
        %and3A_427 = vector.broadcast %and3A_426 : i32 to vector<16xi32>
        %and3A_428 = arith.andi %add3A_425, %and3A_427 : vector<16xi32>
        %mul3A_429 = arith.mulf %gather3A, %select_n3A : vector<16xf32>
        tpu.vector_store_idx %arg8[%add3A_99, %and3A_428], %mul3A_429 : memref<256x32xf32, #tpu.memory_space<vmem>>[vector<16xi32>, vector<16xi32>], vector<16xf32>,
        %add3A_430 = arith.constant 1 : i32
        %add3A_431 = vector.broadcast %add3A_430 : i32 to vector<16xi32>
        %add3A_432 = arith.addi %iota3A, %add3A_431 : vector<16xi32>
        %and3A_433 = arith.constant 31 : i32
        %and3A_434 = vector.broadcast %and3A_433 : i32 to vector<16xi32>
        %and3A_435 = arith.andi %add3A_432, %and3A_434 : vector<16xi32>
        %mul3A_436 = arith.mulf %gather3A_120, %select_n3A : vector<16xf32>
        tpu.vector_store_idx %arg8[%add3A_99, %and3A_435], %mul3A_436 : memref<256x32xf32, #tpu.memory_space<vmem>>[vector<16xi32>, vector<16xi32>], vector<16xf32>,
        %add3A_437 = arith.constant 2 : i32
        %add3A_438 = vector.broadcast %add3A_437 : i32 to vector<16xi32>
        %add3A_439 = arith.addi %iota3A, %add3A_438 : vector<16xi32>
        %and3A_440 = arith.constant 31 : i32
        %and3A_441 = vector.broadcast %and3A_440 : i32 to vector<16xi32>
        %and3A_442 = arith.andi %add3A_439, %and3A_441 : vector<16xi32>
        %mul3A_443 = arith.mulf %gather3A_129, %select_n3A : vector<16xf32>
        tpu.vector_store_idx %arg8[%add3A_99, %and3A_442], %mul3A_443 : memref<256x32xf32, #tpu.memory_space<vmem>>[vector<16xi32>, vector<16xi32>], vector<16xf32>,
        %add3A_444 = arith.constant 3 : i32
        %add3A_445 = vector.broadcast %add3A_444 : i32 to vector<16xi32>
        %add3A_446 = arith.addi %iota3A, %add3A_445 : vector<16xi32>
        %and3A_447 = arith.constant 31 : i32
        %and3A_448 = vector.broadcast %and3A_447 : i32 to vector<16xi32>
        %and3A_449 = arith.andi %add3A_446, %and3A_448 : vector<16xi32>
        %mul3A_450 = arith.mulf %gather3A_138, %select_n3A : vector<16xf32>
        tpu.vector_store_idx %arg8[%add3A_99, %and3A_449], %mul3A_450 : memref<256x32xf32, #tpu.memory_space<vmem>>[vector<16xi32>, vector<16xi32>], vector<16xf32>,
        %add3A_451 = arith.constant 4 : i32
        %add3A_452 = vector.broadcast %add3A_451 : i32 to vector<16xi32>
        %add3A_453 = arith.addi %iota3A, %add3A_452 : vector<16xi32>
        %and3A_454 = arith.constant 31 : i32
        %and3A_455 = vector.broadcast %and3A_454 : i32 to vector<16xi32>
        %and3A_456 = arith.andi %add3A_453, %and3A_455 : vector<16xi32>
        %mul3A_457 = arith.mulf %gather3A_147, %select_n3A : vector<16xf32>
        tpu.vector_store_idx %arg8[%add3A_99, %and3A_456], %mul3A_457 : memref<256x32xf32, #tpu.memory_space<vmem>>[vector<16xi32>, vector<16xi32>], vector<16xf32>,
        %add3A_458 = arith.constant 5 : i32
        %add3A_459 = vector.broadcast %add3A_458 : i32 to vector<16xi32>
        %add3A_460 = arith.addi %iota3A, %add3A_459 : vector<16xi32>
        %and3A_461 = arith.constant 31 : i32
        %and3A_462 = vector.broadcast %and3A_461 : i32 to vector<16xi32>
        %and3A_463 = arith.andi %add3A_460, %and3A_462 : vector<16xi32>
        %mul3A_464 = arith.mulf %gather3A_156, %select_n3A : vector<16xf32>
        tpu.vector_store_idx %arg8[%add3A_99, %and3A_463], %mul3A_464 : memref<256x32xf32, #tpu.memory_space<vmem>>[vector<16xi32>, vector<16xi32>], vector<16xf32>,
        %add3A_465 = arith.constant 6 : i32
        %add3A_466 = vector.broadcast %add3A_465 : i32 to vector<16xi32>
        %add3A_467 = arith.addi %iota3A, %add3A_466 : vector<16xi32>
        %and3A_468 = arith.constant 31 : i32
        %and3A_469 = vector.broadcast %and3A_468 : i32 to vector<16xi32>
        %and3A_470 = arith.andi %add3A_467, %and3A_469 : vector<16xi32>
        %mul3A_471 = arith.mulf %gather3A_165, %select_n3A : vector<16xf32>
        tpu.vector_store_idx %arg8[%add3A_99, %and3A_470], %mul3A_471 : memref<256x32xf32, #tpu.memory_space<vmem>>[vector<16xi32>, vector<16xi32>], vector<16xf32>,
        %add3A_472 = arith.constant 7 : i32
        %add3A_473 = vector.broadcast %add3A_472 : i32 to vector<16xi32>
        %add3A_474 = arith.addi %iota3A, %add3A_473 : vector<16xi32>
        %and3A_475 = arith.constant 31 : i32
        %and3A_476 = vector.broadcast %and3A_475 : i32 to vector<16xi32>
        %and3A_477 = arith.andi %add3A_474, %and3A_476 : vector<16xi32>
        %mul3A_478 = arith.mulf %gather3A_174, %select_n3A : vector<16xf32>
        tpu.vector_store_idx %arg8[%add3A_99, %and3A_477], %mul3A_478 : memref<256x32xf32, #tpu.memory_space<vmem>>[vector<16xi32>, vector<16xi32>], vector<16xf32>,
        %add3A_479 = arith.constant 8 : i32
        %add3A_480 = vector.broadcast %add3A_479 : i32 to vector<16xi32>
        %add3A_481 = arith.addi %iota3A, %add3A_480 : vector<16xi32>
        %and3A_482 = arith.constant 31 : i32
        %and3A_483 = vector.broadcast %and3A_482 : i32 to vector<16xi32>
        %and3A_484 = arith.andi %add3A_481, %and3A_483 : vector<16xi32>
        %mul3A_485 = arith.mulf %gather3A_183, %select_n3A : vector<16xf32>
        tpu.vector_store_idx %arg8[%add3A_99, %and3A_484], %mul3A_485 : memref<256x32xf32, #tpu.memory_space<vmem>>[vector<16xi32>, vector<16xi32>], vector<16xf32>,
        %add3A_486 = arith.constant 9 : i32
        %add3A_487 = vector.broadcast %add3A_486 : i32 to vector<16xi32>
        %add3A_488 = arith.addi %iota3A, %add3A_487 : vector<16xi32>
        %and3A_489 = arith.constant 31 : i32
        %and3A_490 = vector.broadcast %and3A_489 : i32 to vector<16xi32>
        %and3A_491 = arith.andi %add3A_488, %and3A_490 : vector<16xi32>
        %mul3A_492 = arith.mulf %gather3A_192, %select_n3A : vector<16xf32>
        tpu.vector_store_idx %arg8[%add3A_99, %and3A_491], %mul3A_492 : memref<256x32xf32, #tpu.memory_space<vmem>>[vector<16xi32>, vector<16xi32>], vector<16xf32>,
        %add3A_493 = arith.constant 10 : i32
        %add3A_494 = vector.broadcast %add3A_493 : i32 to vector<16xi32>
        %add3A_495 = arith.addi %iota3A, %add3A_494 : vector<16xi32>
        %and3A_496 = arith.constant 31 : i32
        %and3A_497 = vector.broadcast %and3A_496 : i32 to vector<16xi32>
        %and3A_498 = arith.andi %add3A_495, %and3A_497 : vector<16xi32>
        %mul3A_499 = arith.mulf %gather3A_201, %select_n3A : vector<16xf32>
        tpu.vector_store_idx %arg8[%add3A_99, %and3A_498], %mul3A_499 : memref<256x32xf32, #tpu.memory_space<vmem>>[vector<16xi32>, vector<16xi32>], vector<16xf32>,
        %add3A_500 = arith.constant 11 : i32
        %add3A_501 = vector.broadcast %add3A_500 : i32 to vector<16xi32>
        %add3A_502 = arith.addi %iota3A, %add3A_501 : vector<16xi32>
        %and3A_503 = arith.constant 31 : i32
        %and3A_504 = vector.broadcast %and3A_503 : i32 to vector<16xi32>
        %and3A_505 = arith.andi %add3A_502, %and3A_504 : vector<16xi32>
        %mul3A_506 = arith.mulf %gather3A_210, %select_n3A : vector<16xf32>
        tpu.vector_store_idx %arg8[%add3A_99, %and3A_505], %mul3A_506 : memref<256x32xf32, #tpu.memory_space<vmem>>[vector<16xi32>, vector<16xi32>], vector<16xf32>,
        %add3A_507 = arith.constant 12 : i32
        %add3A_508 = vector.broadcast %add3A_507 : i32 to vector<16xi32>
        %add3A_509 = arith.addi %iota3A, %add3A_508 : vector<16xi32>
        %and3A_510 = arith.constant 31 : i32
        %and3A_511 = vector.broadcast %and3A_510 : i32 to vector<16xi32>
        %and3A_512 = arith.andi %add3A_509, %and3A_511 : vector<16xi32>
        %mul3A_513 = arith.mulf %gather3A_219, %select_n3A : vector<16xf32>
        tpu.vector_store_idx %arg8[%add3A_99, %and3A_512], %mul3A_513 : memref<256x32xf32, #tpu.memory_space<vmem>>[vector<16xi32>, vector<16xi32>], vector<16xf32>,
        %add3A_514 = arith.constant 13 : i32
        %add3A_515 = vector.broadcast %add3A_514 : i32 to vector<16xi32>
        %add3A_516 = arith.addi %iota3A, %add3A_515 : vector<16xi32>
        %and3A_517 = arith.constant 31 : i32
        %and3A_518 = vector.broadcast %and3A_517 : i32 to vector<16xi32>
        %and3A_519 = arith.andi %add3A_516, %and3A_518 : vector<16xi32>
        %mul3A_520 = arith.mulf %gather3A_228, %select_n3A : vector<16xf32>
        tpu.vector_store_idx %arg8[%add3A_99, %and3A_519], %mul3A_520 : memref<256x32xf32, #tpu.memory_space<vmem>>[vector<16xi32>, vector<16xi32>], vector<16xf32>,
        %add3A_521 = arith.constant 14 : i32
        %add3A_522 = vector.broadcast %add3A_521 : i32 to vector<16xi32>
        %add3A_523 = arith.addi %iota3A, %add3A_522 : vector<16xi32>
        %and3A_524 = arith.constant 31 : i32
        %and3A_525 = vector.broadcast %and3A_524 : i32 to vector<16xi32>
        %and3A_526 = arith.andi %add3A_523, %and3A_525 : vector<16xi32>
        %mul3A_527 = arith.mulf %gather3A_237, %select_n3A : vector<16xf32>
        tpu.vector_store_idx %arg8[%add3A_99, %and3A_526], %mul3A_527 : memref<256x32xf32, #tpu.memory_space<vmem>>[vector<16xi32>, vector<16xi32>], vector<16xf32>,
        %add3A_528 = arith.constant 15 : i32
        %add3A_529 = vector.broadcast %add3A_528 : i32 to vector<16xi32>
        %add3A_530 = arith.addi %iota3A, %add3A_529 : vector<16xi32>
        %and3A_531 = arith.constant 31 : i32
        %and3A_532 = vector.broadcast %and3A_531 : i32 to vector<16xi32>
        %and3A_533 = arith.andi %add3A_530, %and3A_532 : vector<16xi32>
        %mul3A_534 = arith.mulf %gather3A_246, %select_n3A : vector<16xf32>
        tpu.vector_store_idx %arg8[%add3A_99, %and3A_533], %mul3A_534 : memref<256x32xf32, #tpu.memory_space<vmem>>[vector<16xi32>, vector<16xi32>], vector<16xf32>,
        %add3A_535 = arith.constant 16 : i32
        %add3A_536 = vector.broadcast %add3A_535 : i32 to vector<16xi32>
        %add3A_537 = arith.addi %iota3A, %add3A_536 : vector<16xi32>
        %and3A_538 = arith.constant 31 : i32
        %and3A_539 = vector.broadcast %and3A_538 : i32 to vector<16xi32>
        %and3A_540 = arith.andi %add3A_537, %and3A_539 : vector<16xi32>
        %mul3A_541 = arith.mulf %gather3A_255, %select_n3A : vector<16xf32>
        tpu.vector_store_idx %arg8[%add3A_99, %and3A_540], %mul3A_541 : memref<256x32xf32, #tpu.memory_space<vmem>>[vector<16xi32>, vector<16xi32>], vector<16xf32>,
        %add3A_542 = arith.constant 17 : i32
        %add3A_543 = vector.broadcast %add3A_542 : i32 to vector<16xi32>
        %add3A_544 = arith.addi %iota3A, %add3A_543 : vector<16xi32>
        %and3A_545 = arith.constant 31 : i32
        %and3A_546 = vector.broadcast %and3A_545 : i32 to vector<16xi32>
        %and3A_547 = arith.andi %add3A_544, %and3A_546 : vector<16xi32>
        %mul3A_548 = arith.mulf %gather3A_264, %select_n3A : vector<16xf32>
        tpu.vector_store_idx %arg8[%add3A_99, %and3A_547], %mul3A_548 : memref<256x32xf32, #tpu.memory_space<vmem>>[vector<16xi32>, vector<16xi32>], vector<16xf32>,
        %add3A_549 = arith.constant 18 : i32
        %add3A_550 = vector.broadcast %add3A_549 : i32 to vector<16xi32>
        %add3A_551 = arith.addi %iota3A, %add3A_550 : vector<16xi32>
        %and3A_552 = arith.constant 31 : i32
        %and3A_553 = vector.broadcast %and3A_552 : i32 to vector<16xi32>
        %and3A_554 = arith.andi %add3A_551, %and3A_553 : vector<16xi32>
        %mul3A_555 = arith.mulf %gather3A_273, %select_n3A : vector<16xf32>
        tpu.vector_store_idx %arg8[%add3A_99, %and3A_554], %mul3A_555 : memref<256x32xf32, #tpu.memory_space<vmem>>[vector<16xi32>, vector<16xi32>], vector<16xf32>,
        %add3A_556 = arith.constant 19 : i32
        %add3A_557 = vector.broadcast %add3A_556 : i32 to vector<16xi32>
        %add3A_558 = arith.addi %iota3A, %add3A_557 : vector<16xi32>
        %and3A_559 = arith.constant 31 : i32
        %and3A_560 = vector.broadcast %and3A_559 : i32 to vector<16xi32>
        %and3A_561 = arith.andi %add3A_558, %and3A_560 : vector<16xi32>
        %mul3A_562 = arith.mulf %gather3A_282, %select_n3A : vector<16xf32>
        tpu.vector_store_idx %arg8[%add3A_99, %and3A_561], %mul3A_562 : memref<256x32xf32, #tpu.memory_space<vmem>>[vector<16xi32>, vector<16xi32>], vector<16xf32>,
        %add3A_563 = arith.constant 20 : i32
        %add3A_564 = vector.broadcast %add3A_563 : i32 to vector<16xi32>
        %add3A_565 = arith.addi %iota3A, %add3A_564 : vector<16xi32>
        %and3A_566 = arith.constant 31 : i32
        %and3A_567 = vector.broadcast %and3A_566 : i32 to vector<16xi32>
        %and3A_568 = arith.andi %add3A_565, %and3A_567 : vector<16xi32>
        %mul3A_569 = arith.mulf %gather3A_291, %select_n3A : vector<16xf32>
        tpu.vector_store_idx %arg8[%add3A_99, %and3A_568], %mul3A_569 : memref<256x32xf32, #tpu.memory_space<vmem>>[vector<16xi32>, vector<16xi32>], vector<16xf32>,
        %add3A_570 = arith.constant 21 : i32
        %add3A_571 = vector.broadcast %add3A_570 : i32 to vector<16xi32>
        %add3A_572 = arith.addi %iota3A, %add3A_571 : vector<16xi32>
        %and3A_573 = arith.constant 31 : i32
        %and3A_574 = vector.broadcast %and3A_573 : i32 to vector<16xi32>
        %and3A_575 = arith.andi %add3A_572, %and3A_574 : vector<16xi32>
        %mul3A_576 = arith.mulf %gather3A_300, %select_n3A : vector<16xf32>
        tpu.vector_store_idx %arg8[%add3A_99, %and3A_575], %mul3A_576 : memref<256x32xf32, #tpu.memory_space<vmem>>[vector<16xi32>, vector<16xi32>], vector<16xf32>,
        %add3A_577 = arith.constant 22 : i32
        %add3A_578 = vector.broadcast %add3A_577 : i32 to vector<16xi32>
        %add3A_579 = arith.addi %iota3A, %add3A_578 : vector<16xi32>
        %and3A_580 = arith.constant 31 : i32
        %and3A_581 = vector.broadcast %and3A_580 : i32 to vector<16xi32>
        %and3A_582 = arith.andi %add3A_579, %and3A_581 : vector<16xi32>
        %mul3A_583 = arith.mulf %gather3A_309, %select_n3A : vector<16xf32>
        tpu.vector_store_idx %arg8[%add3A_99, %and3A_582], %mul3A_583 : memref<256x32xf32, #tpu.memory_space<vmem>>[vector<16xi32>, vector<16xi32>], vector<16xf32>,
        %add3A_584 = arith.constant 23 : i32
        %add3A_585 = vector.broadcast %add3A_584 : i32 to vector<16xi32>
        %add3A_586 = arith.addi %iota3A, %add3A_585 : vector<16xi32>
        %and3A_587 = arith.constant 31 : i32
        %and3A_588 = vector.broadcast %and3A_587 : i32 to vector<16xi32>
        %and3A_589 = arith.andi %add3A_586, %and3A_588 : vector<16xi32>
        %mul3A_590 = arith.mulf %gather3A_318, %select_n3A : vector<16xf32>
        tpu.vector_store_idx %arg8[%add3A_99, %and3A_589], %mul3A_590 : memref<256x32xf32, #tpu.memory_space<vmem>>[vector<16xi32>, vector<16xi32>], vector<16xf32>,
        %add3A_591 = arith.constant 24 : i32
        %add3A_592 = vector.broadcast %add3A_591 : i32 to vector<16xi32>
        %add3A_593 = arith.addi %iota3A, %add3A_592 : vector<16xi32>
        %and3A_594 = arith.constant 31 : i32
        %and3A_595 = vector.broadcast %and3A_594 : i32 to vector<16xi32>
        %and3A_596 = arith.andi %add3A_593, %and3A_595 : vector<16xi32>
        %mul3A_597 = arith.mulf %gather3A_327, %select_n3A : vector<16xf32>
        tpu.vector_store_idx %arg8[%add3A_99, %and3A_596], %mul3A_597 : memref<256x32xf32, #tpu.memory_space<vmem>>[vector<16xi32>, vector<16xi32>], vector<16xf32>,
        %add3A_598 = arith.constant 25 : i32
        %add3A_599 = vector.broadcast %add3A_598 : i32 to vector<16xi32>
        %add3A_600 = arith.addi %iota3A, %add3A_599 : vector<16xi32>
        %and3A_601 = arith.constant 31 : i32
        %and3A_602 = vector.broadcast %and3A_601 : i32 to vector<16xi32>
        %and3A_603 = arith.andi %add3A_600, %and3A_602 : vector<16xi32>
        %mul3A_604 = arith.mulf %gather3A_336, %select_n3A : vector<16xf32>
        tpu.vector_store_idx %arg8[%add3A_99, %and3A_603], %mul3A_604 : memref<256x32xf32, #tpu.memory_space<vmem>>[vector<16xi32>, vector<16xi32>], vector<16xf32>,
        %add3A_605 = arith.constant 26 : i32
        %add3A_606 = vector.broadcast %add3A_605 : i32 to vector<16xi32>
        %add3A_607 = arith.addi %iota3A, %add3A_606 : vector<16xi32>
        %and3A_608 = arith.constant 31 : i32
        %and3A_609 = vector.broadcast %and3A_608 : i32 to vector<16xi32>
        %and3A_610 = arith.andi %add3A_607, %and3A_609 : vector<16xi32>
        %mul3A_611 = arith.mulf %gather3A_345, %select_n3A : vector<16xf32>
        tpu.vector_store_idx %arg8[%add3A_99, %and3A_610], %mul3A_611 : memref<256x32xf32, #tpu.memory_space<vmem>>[vector<16xi32>, vector<16xi32>], vector<16xf32>,
        %add3A_612 = arith.constant 27 : i32
        %add3A_613 = vector.broadcast %add3A_612 : i32 to vector<16xi32>
        %add3A_614 = arith.addi %iota3A, %add3A_613 : vector<16xi32>
        %and3A_615 = arith.constant 31 : i32
        %and3A_616 = vector.broadcast %and3A_615 : i32 to vector<16xi32>
        %and3A_617 = arith.andi %add3A_614, %and3A_616 : vector<16xi32>
        %mul3A_618 = arith.mulf %gather3A_354, %select_n3A : vector<16xf32>
        tpu.vector_store_idx %arg8[%add3A_99, %and3A_617], %mul3A_618 : memref<256x32xf32, #tpu.memory_space<vmem>>[vector<16xi32>, vector<16xi32>], vector<16xf32>,
        %add3A_619 = arith.constant 28 : i32
        %add3A_620 = vector.broadcast %add3A_619 : i32 to vector<16xi32>
        %add3A_621 = arith.addi %iota3A, %add3A_620 : vector<16xi32>
        %and3A_622 = arith.constant 31 : i32
        %and3A_623 = vector.broadcast %and3A_622 : i32 to vector<16xi32>
        %and3A_624 = arith.andi %add3A_621, %and3A_623 : vector<16xi32>
        %mul3A_625 = arith.mulf %gather3A_363, %select_n3A : vector<16xf32>
        tpu.vector_store_idx %arg8[%add3A_99, %and3A_624], %mul3A_625 : memref<256x32xf32, #tpu.memory_space<vmem>>[vector<16xi32>, vector<16xi32>], vector<16xf32>,
        %add3A_626 = arith.constant 29 : i32
        %add3A_627 = vector.broadcast %add3A_626 : i32 to vector<16xi32>
        %add3A_628 = arith.addi %iota3A, %add3A_627 : vector<16xi32>
        %and3A_629 = arith.constant 31 : i32
        %and3A_630 = vector.broadcast %and3A_629 : i32 to vector<16xi32>
        %and3A_631 = arith.andi %add3A_628, %and3A_630 : vector<16xi32>
        %mul3A_632 = arith.mulf %gather3A_372, %select_n3A : vector<16xf32>
        tpu.vector_store_idx %arg8[%add3A_99, %and3A_631], %mul3A_632 : memref<256x32xf32, #tpu.memory_space<vmem>>[vector<16xi32>, vector<16xi32>], vector<16xf32>,
        %add3A_633 = arith.constant 30 : i32
        %add3A_634 = vector.broadcast %add3A_633 : i32 to vector<16xi32>
        %add3A_635 = arith.addi %iota3A, %add3A_634 : vector<16xi32>
        %and3A_636 = arith.constant 31 : i32
        %and3A_637 = vector.broadcast %and3A_636 : i32 to vector<16xi32>
        %and3A_638 = arith.andi %add3A_635, %and3A_637 : vector<16xi32>
        %mul3A_639 = arith.mulf %gather3A_381, %select_n3A : vector<16xf32>
        tpu.vector_store_idx %arg8[%add3A_99, %and3A_638], %mul3A_639 : memref<256x32xf32, #tpu.memory_space<vmem>>[vector<16xi32>, vector<16xi32>], vector<16xf32>,
        %add3A_640 = arith.constant 31 : i32
        %add3A_641 = vector.broadcast %add3A_640 : i32 to vector<16xi32>
        %add3A_642 = arith.addi %iota3A, %add3A_641 : vector<16xi32>
        %and3A_643 = arith.constant 31 : i32
        %and3A_644 = vector.broadcast %and3A_643 : i32 to vector<16xi32>
        %and3A_645 = arith.andi %add3A_642, %and3A_644 : vector<16xi32>
        %mul3A_646 = arith.mulf %gather3A_390, %select_n3A : vector<16xf32>
        tpu.vector_store_idx %arg8[%add3A_99, %and3A_645], %mul3A_646 : memref<256x32xf32, #tpu.memory_space<vmem>>[vector<16xi32>, vector<16xi32>], vector<16xf32>,
      }
      %scan3A_44 = arith.constant 16 : i32
      %add3A_45 = arith.constant 2 : i32
      %add3A_46 = arith.addi %add3A_32, %add3A_45 : i32
      %lt3A = arith.constant 40 : i32
      %lt3A_47 = arith.cmpi slt, %add3A_46, %lt3A : i32
      %convert_element_type3A = arith.extui %lt3A_47 : i1 to i32
      %cond3A = arith.constant 0 : i32
      %cond3A_48 = arith.cmpi ne, %convert_element_type3A, %cond3A : i32
      scf.if %cond3A_48 {
        %add3A_95 = arith.constant 2 : i32
        %add3A_96 = arith.addi %add3A_32, %add3A_95 : i32
        %dma_start3A_97 = arith.constant 0 : i32
        %dma_start3A_98 = tpu.memref_slice %arg5[%add3A_96, %dma_start3A_97] : memref<40x256xi32, #tpu.memory_space<vmem>> -> memref<1x256xi32, #tpu.memory_space<vmem>>
        %dma_start3A_99 = tpu.memref_squeeze %dma_start3A_98 : memref<1x256xi32, #tpu.memory_space<vmem>> -> memref<256xi32, #tpu.memory_space<vmem>>
        %dma_start3A_100 = arith.constant 0 : i32
        %dma_start3A_101 = arith.constant 0 : i32
        %dma_start3A_102 = tpu.memref_slice %arg3[%dma_start3A_100, %dma_start3A_101] : memref<1000000x32xf32, #tpu.memory_space<hbm>> -> memref<1000000x32xf32, #tpu.memory_space<hbm>>
        tpu.enqueue_indirect_dma source(%dma_start3A_102 : memref<1000000x32xf32, #tpu.memory_space<hbm>>) target(%arg6 : memref<256x32xf32, #tpu.memory_space<vmem>>) offsets(%dma_start3A_99 : memref<256xi32, #tpu.memory_space<vmem>>) semaphore(%arg10 : memref<!tpu.dma_semaphore, #tpu.memory_space<semaphore_mem>>)
      } else {
      }
      %gt3A = arith.constant 0 : i32
      %gt3A_49 = arith.cmpi sgt, %scan3A_28, %gt3A : i32
      %convert_element_type3A_50 = arith.extui %gt3A_49 : i1 to i32
      %cond3A_51 = arith.constant 0 : i32
      %cond3A_52 = arith.cmpi ne, %convert_element_type3A_50, %cond3A_51 : i32
      scf.if %cond3A_52 {
        %dma_wait3A_95 = arith.constant 0 : i32
        %dma_wait3A_96 = tpu.memref_slice %arg4[%mul3A_2, %dma_wait3A_95] : memref<327680x32xf32, #tpu.memory_space<hbm>> -> memref<256x32xf32, #tpu.memory_space<hbm>>
        %dma_wait3A_97 = arith.constant 0 : i32
        %dma_wait3A_98 = tpu.memref_slice %arg4[%mul3A_2, %dma_wait3A_97] : memref<327680x32xf32, #tpu.memory_space<hbm>> -> memref<256x32xf32, #tpu.memory_space<hbm>>
        tpu.wait_dma2 semaphore(%arg12 : memref<!tpu.dma_semaphore, #tpu.memory_space<semaphore_mem>>) src(%arg8 : memref<256x32xf32, #tpu.memory_space<vmem>>) dst(%dma_wait3A_98 : memref<256x32xf32, #tpu.memory_space<hbm>>)
      } else {
      }
      %mul3A_53 = arith.constant 256 : i32
      %mul3A_54 = arith.muli %add3A_32, %mul3A_53 : i32
      %add3A_55 = arith.addi %mul3A_2, %mul3A_54 : i32
      %dma_start3A_56 = arith.constant 0 : i32
      %dma_start3A_57 = tpu.memref_slice %arg4[%add3A_55, %dma_start3A_56] : memref<327680x32xf32, #tpu.memory_space<hbm>> -> memref<256x32xf32, #tpu.memory_space<hbm>>
      %dma_start3A_58 = arith.constant 0 : i32
      %dma_start3A_59 = tpu.memref_slice %arg4[%add3A_55, %dma_start3A_58] : memref<327680x32xf32, #tpu.memory_space<hbm>> -> memref<256x32xf32, #tpu.memory_space<hbm>>
      tpu.enqueue_dma source(%arg8 : memref<256x32xf32, #tpu.memory_space<vmem>>) target(%dma_start3A_59 : memref<256x32xf32, #tpu.memory_space<hbm>>) target_semaphore(%arg12 : memref<!tpu.dma_semaphore, #tpu.memory_space<semaphore_mem>>)
      %mul3A_60 = arith.constant 2 : i32
      %mul3A_61 = arith.muli %scan3A_28, %mul3A_60 : i32
      %add3A_62 = arith.constant 1 : i32
      %add3A_63 = arith.addi %mul3A_61, %add3A_62 : i32
      %dma_wait3A_64 = arith.constant 0 : i32
      %dma_wait3A_65 = tpu.memref_slice %arg5[%add3A_63, %dma_wait3A_64] : memref<40x256xi32, #tpu.memory_space<vmem>> -> memref<1x256xi32, #tpu.memory_space<vmem>>
      %dma_wait3A_66 = tpu.memref_squeeze %dma_wait3A_65 : memref<1x256xi32, #tpu.memory_space<vmem>> -> memref<256xi32, #tpu.memory_space<vmem>>
      %dma_wait3A_67 = arith.constant 0 : i32
      %dma_wait3A_68 = arith.constant 0 : i32
      %dma_wait3A_69 = tpu.memref_slice %arg3[%dma_wait3A_67, %dma_wait3A_68] : memref<1000000x32xf32, #tpu.memory_space<hbm>> -> memref<1000000x32xf32, #tpu.memory_space<hbm>>
      tpu.wait_indirect_dma semaphore(%arg11 : memref<!tpu.dma_semaphore, #tpu.memory_space<semaphore_mem>>) src(%dma_wait3A_69 : memref<1000000x32xf32, #tpu.memory_space<hbm>>) dst(%arg7 : memref<256x32xf32, #tpu.memory_space<vmem>>)
      %scan3A_70 = arith.constant 0 : i32
      %scan3A_71 = arith.constant 0 : i32
      %scan3A_72 = arith.constant 16 : i32
      %scan3A_73 = arith.addi %scan3A_71, %scan3A_72 : i32
      %scan3A_74 = arith.constant 1 : i32
      scf.for %scan3A_95 = %scan3A_71 to %scan3A_73 step %scan3A_74  : i32 {
        %iota3A = tpu.iota {dimensions = array<i32: 0>} : vector<16xi32>
        %mul3A_96 = arith.constant 16 : i32
        %mul3A_97 = arith.muli %scan3A_95, %mul3A_96 : i32
        %add3A_98 = vector.broadcast %mul3A_97 : i32 to vector<16xi32>
        %add3A_99 = arith.addi %iota3A, %add3A_98 : vector<16xi32>
        %broadcast_in_dim3A = arith.constant 0.000000e+00 : f32
        %broadcast_in_dim3A_100 = vector.broadcast %broadcast_in_dim3A : f32 to vector<16xf32>
        %broadcast_in_dim3A_101 = arith.constant 0.000000e+00 : f32
        %broadcast_in_dim3A_102 = vector.broadcast %broadcast_in_dim3A_101 : f32 to vector<16xf32>
        %broadcast_in_dim3A_103 = arith.constant 0.000000e+00 : f32
        %broadcast_in_dim3A_104 = vector.broadcast %broadcast_in_dim3A_103 : f32 to vector<16xf32>
        %broadcast_in_dim3A_105 = arith.constant 0.000000e+00 : f32
        %broadcast_in_dim3A_106 = vector.broadcast %broadcast_in_dim3A_105 : f32 to vector<16xf32>
        %add3A_107 = arith.constant 0 : i32
        %add3A_108 = vector.broadcast %add3A_107 : i32 to vector<16xi32>
        %add3A_109 = arith.addi %iota3A, %add3A_108 : vector<16xi32>
        %and3A = arith.constant 31 : i32
        %and3A_110 = vector.broadcast %and3A : i32 to vector<16xi32>
        %and3A_111 = arith.andi %add3A_109, %and3A_110 : vector<16xi32>
        %gather3A = tpu.vector_load_idx %arg7[%add3A_99, %and3A_111] : memref<256x32xf32, #tpu.memory_space<vmem>>[vector<16xi32>, vector<16xi32>], vector<16xf32>,
        %mul3A_112 = arith.mulf %gather3A, %gather3A : vector<16xf32>
        %add3A_113 = arith.addf %broadcast_in_dim3A_100, %mul3A_112 : vector<16xf32>
        %add3A_114 = arith.constant 1 : i32
        %add3A_115 = vector.broadcast %add3A_114 : i32 to vector<16xi32>
        %add3A_116 = arith.addi %iota3A, %add3A_115 : vector<16xi32>
        %and3A_117 = arith.constant 31 : i32
        %and3A_118 = vector.broadcast %and3A_117 : i32 to vector<16xi32>
        %and3A_119 = arith.andi %add3A_116, %and3A_118 : vector<16xi32>
        %gather3A_120 = tpu.vector_load_idx %arg7[%add3A_99, %and3A_119] : memref<256x32xf32, #tpu.memory_space<vmem>>[vector<16xi32>, vector<16xi32>], vector<16xf32>,
        %mul3A_121 = arith.mulf %gather3A_120, %gather3A_120 : vector<16xf32>
        %add3A_122 = arith.addf %broadcast_in_dim3A_102, %mul3A_121 : vector<16xf32>
        %add3A_123 = arith.constant 2 : i32
        %add3A_124 = vector.broadcast %add3A_123 : i32 to vector<16xi32>
        %add3A_125 = arith.addi %iota3A, %add3A_124 : vector<16xi32>
        %and3A_126 = arith.constant 31 : i32
        %and3A_127 = vector.broadcast %and3A_126 : i32 to vector<16xi32>
        %and3A_128 = arith.andi %add3A_125, %and3A_127 : vector<16xi32>
        %gather3A_129 = tpu.vector_load_idx %arg7[%add3A_99, %and3A_128] : memref<256x32xf32, #tpu.memory_space<vmem>>[vector<16xi32>, vector<16xi32>], vector<16xf32>,
        %mul3A_130 = arith.mulf %gather3A_129, %gather3A_129 : vector<16xf32>
        %add3A_131 = arith.addf %broadcast_in_dim3A_104, %mul3A_130 : vector<16xf32>
        %add3A_132 = arith.constant 3 : i32
        %add3A_133 = vector.broadcast %add3A_132 : i32 to vector<16xi32>
        %add3A_134 = arith.addi %iota3A, %add3A_133 : vector<16xi32>
        %and3A_135 = arith.constant 31 : i32
        %and3A_136 = vector.broadcast %and3A_135 : i32 to vector<16xi32>
        %and3A_137 = arith.andi %add3A_134, %and3A_136 : vector<16xi32>
        %gather3A_138 = tpu.vector_load_idx %arg7[%add3A_99, %and3A_137] : memref<256x32xf32, #tpu.memory_space<vmem>>[vector<16xi32>, vector<16xi32>], vector<16xf32>,
        %mul3A_139 = arith.mulf %gather3A_138, %gather3A_138 : vector<16xf32>
        %add3A_140 = arith.addf %broadcast_in_dim3A_106, %mul3A_139 : vector<16xf32>
        %add3A_141 = arith.constant 4 : i32
        %add3A_142 = vector.broadcast %add3A_141 : i32 to vector<16xi32>
        %add3A_143 = arith.addi %iota3A, %add3A_142 : vector<16xi32>
        %and3A_144 = arith.constant 31 : i32
        %and3A_145 = vector.broadcast %and3A_144 : i32 to vector<16xi32>
        %and3A_146 = arith.andi %add3A_143, %and3A_145 : vector<16xi32>
        %gather3A_147 = tpu.vector_load_idx %arg7[%add3A_99, %and3A_146] : memref<256x32xf32, #tpu.memory_space<vmem>>[vector<16xi32>, vector<16xi32>], vector<16xf32>,
        %mul3A_148 = arith.mulf %gather3A_147, %gather3A_147 : vector<16xf32>
        %add3A_149 = arith.addf %add3A_113, %mul3A_148 : vector<16xf32>
        %add3A_150 = arith.constant 5 : i32
        %add3A_151 = vector.broadcast %add3A_150 : i32 to vector<16xi32>
        %add3A_152 = arith.addi %iota3A, %add3A_151 : vector<16xi32>
        %and3A_153 = arith.constant 31 : i32
        %and3A_154 = vector.broadcast %and3A_153 : i32 to vector<16xi32>
        %and3A_155 = arith.andi %add3A_152, %and3A_154 : vector<16xi32>
        %gather3A_156 = tpu.vector_load_idx %arg7[%add3A_99, %and3A_155] : memref<256x32xf32, #tpu.memory_space<vmem>>[vector<16xi32>, vector<16xi32>], vector<16xf32>,
        %mul3A_157 = arith.mulf %gather3A_156, %gather3A_156 : vector<16xf32>
        %add3A_158 = arith.addf %add3A_122, %mul3A_157 : vector<16xf32>
        %add3A_159 = arith.constant 6 : i32
        %add3A_160 = vector.broadcast %add3A_159 : i32 to vector<16xi32>
        %add3A_161 = arith.addi %iota3A, %add3A_160 : vector<16xi32>
        %and3A_162 = arith.constant 31 : i32
        %and3A_163 = vector.broadcast %and3A_162 : i32 to vector<16xi32>
        %and3A_164 = arith.andi %add3A_161, %and3A_163 : vector<16xi32>
        %gather3A_165 = tpu.vector_load_idx %arg7[%add3A_99, %and3A_164] : memref<256x32xf32, #tpu.memory_space<vmem>>[vector<16xi32>, vector<16xi32>], vector<16xf32>,
        %mul3A_166 = arith.mulf %gather3A_165, %gather3A_165 : vector<16xf32>
        %add3A_167 = arith.addf %add3A_131, %mul3A_166 : vector<16xf32>
        %add3A_168 = arith.constant 7 : i32
        %add3A_169 = vector.broadcast %add3A_168 : i32 to vector<16xi32>
        %add3A_170 = arith.addi %iota3A, %add3A_169 : vector<16xi32>
        %and3A_171 = arith.constant 31 : i32
        %and3A_172 = vector.broadcast %and3A_171 : i32 to vector<16xi32>
        %and3A_173 = arith.andi %add3A_170, %and3A_172 : vector<16xi32>
        %gather3A_174 = tpu.vector_load_idx %arg7[%add3A_99, %and3A_173] : memref<256x32xf32, #tpu.memory_space<vmem>>[vector<16xi32>, vector<16xi32>], vector<16xf32>,
        %mul3A_175 = arith.mulf %gather3A_174, %gather3A_174 : vector<16xf32>
        %add3A_176 = arith.addf %add3A_140, %mul3A_175 : vector<16xf32>
        %add3A_177 = arith.constant 8 : i32
        %add3A_178 = vector.broadcast %add3A_177 : i32 to vector<16xi32>
        %add3A_179 = arith.addi %iota3A, %add3A_178 : vector<16xi32>
        %and3A_180 = arith.constant 31 : i32
        %and3A_181 = vector.broadcast %and3A_180 : i32 to vector<16xi32>
        %and3A_182 = arith.andi %add3A_179, %and3A_181 : vector<16xi32>
        %gather3A_183 = tpu.vector_load_idx %arg7[%add3A_99, %and3A_182] : memref<256x32xf32, #tpu.memory_space<vmem>>[vector<16xi32>, vector<16xi32>], vector<16xf32>,
        %mul3A_184 = arith.mulf %gather3A_183, %gather3A_183 : vector<16xf32>
        %add3A_185 = arith.addf %add3A_149, %mul3A_184 : vector<16xf32>
        %add3A_186 = arith.constant 9 : i32
        %add3A_187 = vector.broadcast %add3A_186 : i32 to vector<16xi32>
        %add3A_188 = arith.addi %iota3A, %add3A_187 : vector<16xi32>
        %and3A_189 = arith.constant 31 : i32
        %and3A_190 = vector.broadcast %and3A_189 : i32 to vector<16xi32>
        %and3A_191 = arith.andi %add3A_188, %and3A_190 : vector<16xi32>
        %gather3A_192 = tpu.vector_load_idx %arg7[%add3A_99, %and3A_191] : memref<256x32xf32, #tpu.memory_space<vmem>>[vector<16xi32>, vector<16xi32>], vector<16xf32>,
        %mul3A_193 = arith.mulf %gather3A_192, %gather3A_192 : vector<16xf32>
        %add3A_194 = arith.addf %add3A_158, %mul3A_193 : vector<16xf32>
        %add3A_195 = arith.constant 10 : i32
        %add3A_196 = vector.broadcast %add3A_195 : i32 to vector<16xi32>
        %add3A_197 = arith.addi %iota3A, %add3A_196 : vector<16xi32>
        %and3A_198 = arith.constant 31 : i32
        %and3A_199 = vector.broadcast %and3A_198 : i32 to vector<16xi32>
        %and3A_200 = arith.andi %add3A_197, %and3A_199 : vector<16xi32>
        %gather3A_201 = tpu.vector_load_idx %arg7[%add3A_99, %and3A_200] : memref<256x32xf32, #tpu.memory_space<vmem>>[vector<16xi32>, vector<16xi32>], vector<16xf32>,
        %mul3A_202 = arith.mulf %gather3A_201, %gather3A_201 : vector<16xf32>
        %add3A_203 = arith.addf %add3A_167, %mul3A_202 : vector<16xf32>
        %add3A_204 = arith.constant 11 : i32
        %add3A_205 = vector.broadcast %add3A_204 : i32 to vector<16xi32>
        %add3A_206 = arith.addi %iota3A, %add3A_205 : vector<16xi32>
        %and3A_207 = arith.constant 31 : i32
        %and3A_208 = vector.broadcast %and3A_207 : i32 to vector<16xi32>
        %and3A_209 = arith.andi %add3A_206, %and3A_208 : vector<16xi32>
        %gather3A_210 = tpu.vector_load_idx %arg7[%add3A_99, %and3A_209] : memref<256x32xf32, #tpu.memory_space<vmem>>[vector<16xi32>, vector<16xi32>], vector<16xf32>,
        %mul3A_211 = arith.mulf %gather3A_210, %gather3A_210 : vector<16xf32>
        %add3A_212 = arith.addf %add3A_176, %mul3A_211 : vector<16xf32>
        %add3A_213 = arith.constant 12 : i32
        %add3A_214 = vector.broadcast %add3A_213 : i32 to vector<16xi32>
        %add3A_215 = arith.addi %iota3A, %add3A_214 : vector<16xi32>
        %and3A_216 = arith.constant 31 : i32
        %and3A_217 = vector.broadcast %and3A_216 : i32 to vector<16xi32>
        %and3A_218 = arith.andi %add3A_215, %and3A_217 : vector<16xi32>
        %gather3A_219 = tpu.vector_load_idx %arg7[%add3A_99, %and3A_218] : memref<256x32xf32, #tpu.memory_space<vmem>>[vector<16xi32>, vector<16xi32>], vector<16xf32>,
        %mul3A_220 = arith.mulf %gather3A_219, %gather3A_219 : vector<16xf32>
        %add3A_221 = arith.addf %add3A_185, %mul3A_220 : vector<16xf32>
        %add3A_222 = arith.constant 13 : i32
        %add3A_223 = vector.broadcast %add3A_222 : i32 to vector<16xi32>
        %add3A_224 = arith.addi %iota3A, %add3A_223 : vector<16xi32>
        %and3A_225 = arith.constant 31 : i32
        %and3A_226 = vector.broadcast %and3A_225 : i32 to vector<16xi32>
        %and3A_227 = arith.andi %add3A_224, %and3A_226 : vector<16xi32>
        %gather3A_228 = tpu.vector_load_idx %arg7[%add3A_99, %and3A_227] : memref<256x32xf32, #tpu.memory_space<vmem>>[vector<16xi32>, vector<16xi32>], vector<16xf32>,
        %mul3A_229 = arith.mulf %gather3A_228, %gather3A_228 : vector<16xf32>
        %add3A_230 = arith.addf %add3A_194, %mul3A_229 : vector<16xf32>
        %add3A_231 = arith.constant 14 : i32
        %add3A_232 = vector.broadcast %add3A_231 : i32 to vector<16xi32>
        %add3A_233 = arith.addi %iota3A, %add3A_232 : vector<16xi32>
        %and3A_234 = arith.constant 31 : i32
        %and3A_235 = vector.broadcast %and3A_234 : i32 to vector<16xi32>
        %and3A_236 = arith.andi %add3A_233, %and3A_235 : vector<16xi32>
        %gather3A_237 = tpu.vector_load_idx %arg7[%add3A_99, %and3A_236] : memref<256x32xf32, #tpu.memory_space<vmem>>[vector<16xi32>, vector<16xi32>], vector<16xf32>,
        %mul3A_238 = arith.mulf %gather3A_237, %gather3A_237 : vector<16xf32>
        %add3A_239 = arith.addf %add3A_203, %mul3A_238 : vector<16xf32>
        %add3A_240 = arith.constant 15 : i32
        %add3A_241 = vector.broadcast %add3A_240 : i32 to vector<16xi32>
        %add3A_242 = arith.addi %iota3A, %add3A_241 : vector<16xi32>
        %and3A_243 = arith.constant 31 : i32
        %and3A_244 = vector.broadcast %and3A_243 : i32 to vector<16xi32>
        %and3A_245 = arith.andi %add3A_242, %and3A_244 : vector<16xi32>
        %gather3A_246 = tpu.vector_load_idx %arg7[%add3A_99, %and3A_245] : memref<256x32xf32, #tpu.memory_space<vmem>>[vector<16xi32>, vector<16xi32>], vector<16xf32>,
        %mul3A_247 = arith.mulf %gather3A_246, %gather3A_246 : vector<16xf32>
        %add3A_248 = arith.addf %add3A_212, %mul3A_247 : vector<16xf32>
        %add3A_249 = arith.constant 16 : i32
        %add3A_250 = vector.broadcast %add3A_249 : i32 to vector<16xi32>
        %add3A_251 = arith.addi %iota3A, %add3A_250 : vector<16xi32>
        %and3A_252 = arith.constant 31 : i32
        %and3A_253 = vector.broadcast %and3A_252 : i32 to vector<16xi32>
        %and3A_254 = arith.andi %add3A_251, %and3A_253 : vector<16xi32>
        %gather3A_255 = tpu.vector_load_idx %arg7[%add3A_99, %and3A_254] : memref<256x32xf32, #tpu.memory_space<vmem>>[vector<16xi32>, vector<16xi32>], vector<16xf32>,
        %mul3A_256 = arith.mulf %gather3A_255, %gather3A_255 : vector<16xf32>
        %add3A_257 = arith.addf %add3A_221, %mul3A_256 : vector<16xf32>
        %add3A_258 = arith.constant 17 : i32
        %add3A_259 = vector.broadcast %add3A_258 : i32 to vector<16xi32>
        %add3A_260 = arith.addi %iota3A, %add3A_259 : vector<16xi32>
        %and3A_261 = arith.constant 31 : i32
        %and3A_262 = vector.broadcast %and3A_261 : i32 to vector<16xi32>
        %and3A_263 = arith.andi %add3A_260, %and3A_262 : vector<16xi32>
        %gather3A_264 = tpu.vector_load_idx %arg7[%add3A_99, %and3A_263] : memref<256x32xf32, #tpu.memory_space<vmem>>[vector<16xi32>, vector<16xi32>], vector<16xf32>,
        %mul3A_265 = arith.mulf %gather3A_264, %gather3A_264 : vector<16xf32>
        %add3A_266 = arith.addf %add3A_230, %mul3A_265 : vector<16xf32>
        %add3A_267 = arith.constant 18 : i32
        %add3A_268 = vector.broadcast %add3A_267 : i32 to vector<16xi32>
        %add3A_269 = arith.addi %iota3A, %add3A_268 : vector<16xi32>
        %and3A_270 = arith.constant 31 : i32
        %and3A_271 = vector.broadcast %and3A_270 : i32 to vector<16xi32>
        %and3A_272 = arith.andi %add3A_269, %and3A_271 : vector<16xi32>
        %gather3A_273 = tpu.vector_load_idx %arg7[%add3A_99, %and3A_272] : memref<256x32xf32, #tpu.memory_space<vmem>>[vector<16xi32>, vector<16xi32>], vector<16xf32>,
        %mul3A_274 = arith.mulf %gather3A_273, %gather3A_273 : vector<16xf32>
        %add3A_275 = arith.addf %add3A_239, %mul3A_274 : vector<16xf32>
        %add3A_276 = arith.constant 19 : i32
        %add3A_277 = vector.broadcast %add3A_276 : i32 to vector<16xi32>
        %add3A_278 = arith.addi %iota3A, %add3A_277 : vector<16xi32>
        %and3A_279 = arith.constant 31 : i32
        %and3A_280 = vector.broadcast %and3A_279 : i32 to vector<16xi32>
        %and3A_281 = arith.andi %add3A_278, %and3A_280 : vector<16xi32>
        %gather3A_282 = tpu.vector_load_idx %arg7[%add3A_99, %and3A_281] : memref<256x32xf32, #tpu.memory_space<vmem>>[vector<16xi32>, vector<16xi32>], vector<16xf32>,
        %mul3A_283 = arith.mulf %gather3A_282, %gather3A_282 : vector<16xf32>
        %add3A_284 = arith.addf %add3A_248, %mul3A_283 : vector<16xf32>
        %add3A_285 = arith.constant 20 : i32
        %add3A_286 = vector.broadcast %add3A_285 : i32 to vector<16xi32>
        %add3A_287 = arith.addi %iota3A, %add3A_286 : vector<16xi32>
        %and3A_288 = arith.constant 31 : i32
        %and3A_289 = vector.broadcast %and3A_288 : i32 to vector<16xi32>
        %and3A_290 = arith.andi %add3A_287, %and3A_289 : vector<16xi32>
        %gather3A_291 = tpu.vector_load_idx %arg7[%add3A_99, %and3A_290] : memref<256x32xf32, #tpu.memory_space<vmem>>[vector<16xi32>, vector<16xi32>], vector<16xf32>,
        %mul3A_292 = arith.mulf %gather3A_291, %gather3A_291 : vector<16xf32>
        %add3A_293 = arith.addf %add3A_257, %mul3A_292 : vector<16xf32>
        %add3A_294 = arith.constant 21 : i32
        %add3A_295 = vector.broadcast %add3A_294 : i32 to vector<16xi32>
        %add3A_296 = arith.addi %iota3A, %add3A_295 : vector<16xi32>
        %and3A_297 = arith.constant 31 : i32
        %and3A_298 = vector.broadcast %and3A_297 : i32 to vector<16xi32>
        %and3A_299 = arith.andi %add3A_296, %and3A_298 : vector<16xi32>
        %gather3A_300 = tpu.vector_load_idx %arg7[%add3A_99, %and3A_299] : memref<256x32xf32, #tpu.memory_space<vmem>>[vector<16xi32>, vector<16xi32>], vector<16xf32>,
        %mul3A_301 = arith.mulf %gather3A_300, %gather3A_300 : vector<16xf32>
        %add3A_302 = arith.addf %add3A_266, %mul3A_301 : vector<16xf32>
        %add3A_303 = arith.constant 22 : i32
        %add3A_304 = vector.broadcast %add3A_303 : i32 to vector<16xi32>
        %add3A_305 = arith.addi %iota3A, %add3A_304 : vector<16xi32>
        %and3A_306 = arith.constant 31 : i32
        %and3A_307 = vector.broadcast %and3A_306 : i32 to vector<16xi32>
        %and3A_308 = arith.andi %add3A_305, %and3A_307 : vector<16xi32>
        %gather3A_309 = tpu.vector_load_idx %arg7[%add3A_99, %and3A_308] : memref<256x32xf32, #tpu.memory_space<vmem>>[vector<16xi32>, vector<16xi32>], vector<16xf32>,
        %mul3A_310 = arith.mulf %gather3A_309, %gather3A_309 : vector<16xf32>
        %add3A_311 = arith.addf %add3A_275, %mul3A_310 : vector<16xf32>
        %add3A_312 = arith.constant 23 : i32
        %add3A_313 = vector.broadcast %add3A_312 : i32 to vector<16xi32>
        %add3A_314 = arith.addi %iota3A, %add3A_313 : vector<16xi32>
        %and3A_315 = arith.constant 31 : i32
        %and3A_316 = vector.broadcast %and3A_315 : i32 to vector<16xi32>
        %and3A_317 = arith.andi %add3A_314, %and3A_316 : vector<16xi32>
        %gather3A_318 = tpu.vector_load_idx %arg7[%add3A_99, %and3A_317] : memref<256x32xf32, #tpu.memory_space<vmem>>[vector<16xi32>, vector<16xi32>], vector<16xf32>,
        %mul3A_319 = arith.mulf %gather3A_318, %gather3A_318 : vector<16xf32>
        %add3A_320 = arith.addf %add3A_284, %mul3A_319 : vector<16xf32>
        %add3A_321 = arith.constant 24 : i32
        %add3A_322 = vector.broadcast %add3A_321 : i32 to vector<16xi32>
        %add3A_323 = arith.addi %iota3A, %add3A_322 : vector<16xi32>
        %and3A_324 = arith.constant 31 : i32
        %and3A_325 = vector.broadcast %and3A_324 : i32 to vector<16xi32>
        %and3A_326 = arith.andi %add3A_323, %and3A_325 : vector<16xi32>
        %gather3A_327 = tpu.vector_load_idx %arg7[%add3A_99, %and3A_326] : memref<256x32xf32, #tpu.memory_space<vmem>>[vector<16xi32>, vector<16xi32>], vector<16xf32>,
        %mul3A_328 = arith.mulf %gather3A_327, %gather3A_327 : vector<16xf32>
        %add3A_329 = arith.addf %add3A_293, %mul3A_328 : vector<16xf32>
        %add3A_330 = arith.constant 25 : i32
        %add3A_331 = vector.broadcast %add3A_330 : i32 to vector<16xi32>
        %add3A_332 = arith.addi %iota3A, %add3A_331 : vector<16xi32>
        %and3A_333 = arith.constant 31 : i32
        %and3A_334 = vector.broadcast %and3A_333 : i32 to vector<16xi32>
        %and3A_335 = arith.andi %add3A_332, %and3A_334 : vector<16xi32>
        %gather3A_336 = tpu.vector_load_idx %arg7[%add3A_99, %and3A_335] : memref<256x32xf32, #tpu.memory_space<vmem>>[vector<16xi32>, vector<16xi32>], vector<16xf32>,
        %mul3A_337 = arith.mulf %gather3A_336, %gather3A_336 : vector<16xf32>
        %add3A_338 = arith.addf %add3A_302, %mul3A_337 : vector<16xf32>
        %add3A_339 = arith.constant 26 : i32
        %add3A_340 = vector.broadcast %add3A_339 : i32 to vector<16xi32>
        %add3A_341 = arith.addi %iota3A, %add3A_340 : vector<16xi32>
        %and3A_342 = arith.constant 31 : i32
        %and3A_343 = vector.broadcast %and3A_342 : i32 to vector<16xi32>
        %and3A_344 = arith.andi %add3A_341, %and3A_343 : vector<16xi32>
        %gather3A_345 = tpu.vector_load_idx %arg7[%add3A_99, %and3A_344] : memref<256x32xf32, #tpu.memory_space<vmem>>[vector<16xi32>, vector<16xi32>], vector<16xf32>,
        %mul3A_346 = arith.mulf %gather3A_345, %gather3A_345 : vector<16xf32>
        %add3A_347 = arith.addf %add3A_311, %mul3A_346 : vector<16xf32>
        %add3A_348 = arith.constant 27 : i32
        %add3A_349 = vector.broadcast %add3A_348 : i32 to vector<16xi32>
        %add3A_350 = arith.addi %iota3A, %add3A_349 : vector<16xi32>
        %and3A_351 = arith.constant 31 : i32
        %and3A_352 = vector.broadcast %and3A_351 : i32 to vector<16xi32>
        %and3A_353 = arith.andi %add3A_350, %and3A_352 : vector<16xi32>
        %gather3A_354 = tpu.vector_load_idx %arg7[%add3A_99, %and3A_353] : memref<256x32xf32, #tpu.memory_space<vmem>>[vector<16xi32>, vector<16xi32>], vector<16xf32>,
        %mul3A_355 = arith.mulf %gather3A_354, %gather3A_354 : vector<16xf32>
        %add3A_356 = arith.addf %add3A_320, %mul3A_355 : vector<16xf32>
        %add3A_357 = arith.constant 28 : i32
        %add3A_358 = vector.broadcast %add3A_357 : i32 to vector<16xi32>
        %add3A_359 = arith.addi %iota3A, %add3A_358 : vector<16xi32>
        %and3A_360 = arith.constant 31 : i32
        %and3A_361 = vector.broadcast %and3A_360 : i32 to vector<16xi32>
        %and3A_362 = arith.andi %add3A_359, %and3A_361 : vector<16xi32>
        %gather3A_363 = tpu.vector_load_idx %arg7[%add3A_99, %and3A_362] : memref<256x32xf32, #tpu.memory_space<vmem>>[vector<16xi32>, vector<16xi32>], vector<16xf32>,
        %mul3A_364 = arith.mulf %gather3A_363, %gather3A_363 : vector<16xf32>
        %add3A_365 = arith.addf %add3A_329, %mul3A_364 : vector<16xf32>
        %add3A_366 = arith.constant 29 : i32
        %add3A_367 = vector.broadcast %add3A_366 : i32 to vector<16xi32>
        %add3A_368 = arith.addi %iota3A, %add3A_367 : vector<16xi32>
        %and3A_369 = arith.constant 31 : i32
        %and3A_370 = vector.broadcast %and3A_369 : i32 to vector<16xi32>
        %and3A_371 = arith.andi %add3A_368, %and3A_370 : vector<16xi32>
        %gather3A_372 = tpu.vector_load_idx %arg7[%add3A_99, %and3A_371] : memref<256x32xf32, #tpu.memory_space<vmem>>[vector<16xi32>, vector<16xi32>], vector<16xf32>,
        %mul3A_373 = arith.mulf %gather3A_372, %gather3A_372 : vector<16xf32>
        %add3A_374 = arith.addf %add3A_338, %mul3A_373 : vector<16xf32>
        %add3A_375 = arith.constant 30 : i32
        %add3A_376 = vector.broadcast %add3A_375 : i32 to vector<16xi32>
        %add3A_377 = arith.addi %iota3A, %add3A_376 : vector<16xi32>
        %and3A_378 = arith.constant 31 : i32
        %and3A_379 = vector.broadcast %and3A_378 : i32 to vector<16xi32>
        %and3A_380 = arith.andi %add3A_377, %and3A_379 : vector<16xi32>
        %gather3A_381 = tpu.vector_load_idx %arg7[%add3A_99, %and3A_380] : memref<256x32xf32, #tpu.memory_space<vmem>>[vector<16xi32>, vector<16xi32>], vector<16xf32>,
        %mul3A_382 = arith.mulf %gather3A_381, %gather3A_381 : vector<16xf32>
        %add3A_383 = arith.addf %add3A_347, %mul3A_382 : vector<16xf32>
        %add3A_384 = arith.constant 31 : i32
        %add3A_385 = vector.broadcast %add3A_384 : i32 to vector<16xi32>
        %add3A_386 = arith.addi %iota3A, %add3A_385 : vector<16xi32>
        %and3A_387 = arith.constant 31 : i32
        %and3A_388 = vector.broadcast %and3A_387 : i32 to vector<16xi32>
        %and3A_389 = arith.andi %add3A_386, %and3A_388 : vector<16xi32>
        %gather3A_390 = tpu.vector_load_idx %arg7[%add3A_99, %and3A_389] : memref<256x32xf32, #tpu.memory_space<vmem>>[vector<16xi32>, vector<16xi32>], vector<16xf32>,
        %mul3A_391 = arith.mulf %gather3A_390, %gather3A_390 : vector<16xf32>
        %add3A_392 = arith.addf %add3A_356, %mul3A_391 : vector<16xf32>
        %add3A_393 = arith.addf %add3A_365, %add3A_374 : vector<16xf32>
        %add3A_394 = arith.addf %add3A_383, %add3A_392 : vector<16xf32>
        %add3A_395 = arith.addf %add3A_393, %add3A_394 : vector<16xf32>
        %bitcast3A = vector.bitcast %add3A_395 : vector<16xf32> to vector<16xi32>
        %shift_right_arithmetic3A = arith.constant 1 : i32
        %shift_right_arithmetic3A_396 = vector.broadcast %shift_right_arithmetic3A : i32 to vector<16xi32>
        %shift_right_arithmetic3A_397 = arith.shrsi %bitcast3A, %shift_right_arithmetic3A_396 : vector<16xi32>
        %sub3A = arith.constant 1597463007 : i32
        %sub3A_398 = vector.broadcast %sub3A : i32 to vector<16xi32>
        %sub3A_399 = arith.subi %sub3A_398, %shift_right_arithmetic3A_397 : vector<16xi32>
        %bitcast3A_400 = vector.bitcast %sub3A_399 : vector<16xi32> to vector<16xf32>
        %mul3A_401 = arith.constant 5.000000e-01 : f32
        %mul3A_402 = vector.broadcast %mul3A_401 : f32 to vector<16xf32>
        %mul3A_403 = arith.mulf %mul3A_402, %add3A_395 : vector<16xf32>
        %mul3A_404 = arith.mulf %mul3A_403, %bitcast3A_400 : vector<16xf32>
        %mul3A_405 = arith.mulf %mul3A_404, %bitcast3A_400 : vector<16xf32>
        %sub3A_406 = arith.constant 1.500000e+00 : f32
        %sub3A_407 = vector.broadcast %sub3A_406 : f32 to vector<16xf32>
        %sub3A_408 = arith.subf %sub3A_407, %mul3A_405 : vector<16xf32>
        %mul3A_409 = arith.mulf %bitcast3A_400, %sub3A_408 : vector<16xf32>
        %mul3A_410 = arith.constant 5.000000e-01 : f32
        %mul3A_411 = vector.broadcast %mul3A_410 : f32 to vector<16xf32>
        %mul3A_412 = arith.mulf %mul3A_411, %add3A_395 : vector<16xf32>
        %mul3A_413 = arith.mulf %mul3A_412, %mul3A_409 : vector<16xf32>
        %mul3A_414 = arith.mulf %mul3A_413, %mul3A_409 : vector<16xf32>
        %sub3A_415 = arith.constant 1.500000e+00 : f32
        %sub3A_416 = vector.broadcast %sub3A_415 : f32 to vector<16xf32>
        %sub3A_417 = arith.subf %sub3A_416, %mul3A_414 : vector<16xf32>
        %mul3A_418 = arith.mulf %mul3A_409, %sub3A_417 : vector<16xf32>
        %gt3A_419 = arith.constant 1.000000e+00 : f32
        %gt3A_420 = vector.broadcast %gt3A_419 : f32 to vector<16xf32>
        %gt3A_421 = arith.cmpf ogt, %add3A_395, %gt3A_420 : vector<16xf32>
        %jit3A = arith.constant 1.000000e+00 : f32
        %broadcast_in_dim3A_422 = vector.broadcast %jit3A : f32 to vector<16xf32>
        %select_n3A = arith.select %gt3A_421, %mul3A_418, %broadcast_in_dim3A_422 : vector<16xi1>, vector<16xf32>
        %add3A_423 = arith.constant 0 : i32
        %add3A_424 = vector.broadcast %add3A_423 : i32 to vector<16xi32>
        %add3A_425 = arith.addi %iota3A, %add3A_424 : vector<16xi32>
        %and3A_426 = arith.constant 31 : i32
        %and3A_427 = vector.broadcast %and3A_426 : i32 to vector<16xi32>
        %and3A_428 = arith.andi %add3A_425, %and3A_427 : vector<16xi32>
        %mul3A_429 = arith.mulf %gather3A, %select_n3A : vector<16xf32>
        tpu.vector_store_idx %arg9[%add3A_99, %and3A_428], %mul3A_429 : memref<256x32xf32, #tpu.memory_space<vmem>>[vector<16xi32>, vector<16xi32>], vector<16xf32>,
        %add3A_430 = arith.constant 1 : i32
        %add3A_431 = vector.broadcast %add3A_430 : i32 to vector<16xi32>
        %add3A_432 = arith.addi %iota3A, %add3A_431 : vector<16xi32>
        %and3A_433 = arith.constant 31 : i32
        %and3A_434 = vector.broadcast %and3A_433 : i32 to vector<16xi32>
        %and3A_435 = arith.andi %add3A_432, %and3A_434 : vector<16xi32>
        %mul3A_436 = arith.mulf %gather3A_120, %select_n3A : vector<16xf32>
        tpu.vector_store_idx %arg9[%add3A_99, %and3A_435], %mul3A_436 : memref<256x32xf32, #tpu.memory_space<vmem>>[vector<16xi32>, vector<16xi32>], vector<16xf32>,
        %add3A_437 = arith.constant 2 : i32
        %add3A_438 = vector.broadcast %add3A_437 : i32 to vector<16xi32>
        %add3A_439 = arith.addi %iota3A, %add3A_438 : vector<16xi32>
        %and3A_440 = arith.constant 31 : i32
        %and3A_441 = vector.broadcast %and3A_440 : i32 to vector<16xi32>
        %and3A_442 = arith.andi %add3A_439, %and3A_441 : vector<16xi32>
        %mul3A_443 = arith.mulf %gather3A_129, %select_n3A : vector<16xf32>
        tpu.vector_store_idx %arg9[%add3A_99, %and3A_442], %mul3A_443 : memref<256x32xf32, #tpu.memory_space<vmem>>[vector<16xi32>, vector<16xi32>], vector<16xf32>,
        %add3A_444 = arith.constant 3 : i32
        %add3A_445 = vector.broadcast %add3A_444 : i32 to vector<16xi32>
        %add3A_446 = arith.addi %iota3A, %add3A_445 : vector<16xi32>
        %and3A_447 = arith.constant 31 : i32
        %and3A_448 = vector.broadcast %and3A_447 : i32 to vector<16xi32>
        %and3A_449 = arith.andi %add3A_446, %and3A_448 : vector<16xi32>
        %mul3A_450 = arith.mulf %gather3A_138, %select_n3A : vector<16xf32>
        tpu.vector_store_idx %arg9[%add3A_99, %and3A_449], %mul3A_450 : memref<256x32xf32, #tpu.memory_space<vmem>>[vector<16xi32>, vector<16xi32>], vector<16xf32>,
        %add3A_451 = arith.constant 4 : i32
        %add3A_452 = vector.broadcast %add3A_451 : i32 to vector<16xi32>
        %add3A_453 = arith.addi %iota3A, %add3A_452 : vector<16xi32>
        %and3A_454 = arith.constant 31 : i32
        %and3A_455 = vector.broadcast %and3A_454 : i32 to vector<16xi32>
        %and3A_456 = arith.andi %add3A_453, %and3A_455 : vector<16xi32>
        %mul3A_457 = arith.mulf %gather3A_147, %select_n3A : vector<16xf32>
        tpu.vector_store_idx %arg9[%add3A_99, %and3A_456], %mul3A_457 : memref<256x32xf32, #tpu.memory_space<vmem>>[vector<16xi32>, vector<16xi32>], vector<16xf32>,
        %add3A_458 = arith.constant 5 : i32
        %add3A_459 = vector.broadcast %add3A_458 : i32 to vector<16xi32>
        %add3A_460 = arith.addi %iota3A, %add3A_459 : vector<16xi32>
        %and3A_461 = arith.constant 31 : i32
        %and3A_462 = vector.broadcast %and3A_461 : i32 to vector<16xi32>
        %and3A_463 = arith.andi %add3A_460, %and3A_462 : vector<16xi32>
        %mul3A_464 = arith.mulf %gather3A_156, %select_n3A : vector<16xf32>
        tpu.vector_store_idx %arg9[%add3A_99, %and3A_463], %mul3A_464 : memref<256x32xf32, #tpu.memory_space<vmem>>[vector<16xi32>, vector<16xi32>], vector<16xf32>,
        %add3A_465 = arith.constant 6 : i32
        %add3A_466 = vector.broadcast %add3A_465 : i32 to vector<16xi32>
        %add3A_467 = arith.addi %iota3A, %add3A_466 : vector<16xi32>
        %and3A_468 = arith.constant 31 : i32
        %and3A_469 = vector.broadcast %and3A_468 : i32 to vector<16xi32>
        %and3A_470 = arith.andi %add3A_467, %and3A_469 : vector<16xi32>
        %mul3A_471 = arith.mulf %gather3A_165, %select_n3A : vector<16xf32>
        tpu.vector_store_idx %arg9[%add3A_99, %and3A_470], %mul3A_471 : memref<256x32xf32, #tpu.memory_space<vmem>>[vector<16xi32>, vector<16xi32>], vector<16xf32>,
        %add3A_472 = arith.constant 7 : i32
        %add3A_473 = vector.broadcast %add3A_472 : i32 to vector<16xi32>
        %add3A_474 = arith.addi %iota3A, %add3A_473 : vector<16xi32>
        %and3A_475 = arith.constant 31 : i32
        %and3A_476 = vector.broadcast %and3A_475 : i32 to vector<16xi32>
        %and3A_477 = arith.andi %add3A_474, %and3A_476 : vector<16xi32>
        %mul3A_478 = arith.mulf %gather3A_174, %select_n3A : vector<16xf32>
        tpu.vector_store_idx %arg9[%add3A_99, %and3A_477], %mul3A_478 : memref<256x32xf32, #tpu.memory_space<vmem>>[vector<16xi32>, vector<16xi32>], vector<16xf32>,
        %add3A_479 = arith.constant 8 : i32
        %add3A_480 = vector.broadcast %add3A_479 : i32 to vector<16xi32>
        %add3A_481 = arith.addi %iota3A, %add3A_480 : vector<16xi32>
        %and3A_482 = arith.constant 31 : i32
        %and3A_483 = vector.broadcast %and3A_482 : i32 to vector<16xi32>
        %and3A_484 = arith.andi %add3A_481, %and3A_483 : vector<16xi32>
        %mul3A_485 = arith.mulf %gather3A_183, %select_n3A : vector<16xf32>
        tpu.vector_store_idx %arg9[%add3A_99, %and3A_484], %mul3A_485 : memref<256x32xf32, #tpu.memory_space<vmem>>[vector<16xi32>, vector<16xi32>], vector<16xf32>,
        %add3A_486 = arith.constant 9 : i32
        %add3A_487 = vector.broadcast %add3A_486 : i32 to vector<16xi32>
        %add3A_488 = arith.addi %iota3A, %add3A_487 : vector<16xi32>
        %and3A_489 = arith.constant 31 : i32
        %and3A_490 = vector.broadcast %and3A_489 : i32 to vector<16xi32>
        %and3A_491 = arith.andi %add3A_488, %and3A_490 : vector<16xi32>
        %mul3A_492 = arith.mulf %gather3A_192, %select_n3A : vector<16xf32>
        tpu.vector_store_idx %arg9[%add3A_99, %and3A_491], %mul3A_492 : memref<256x32xf32, #tpu.memory_space<vmem>>[vector<16xi32>, vector<16xi32>], vector<16xf32>,
        %add3A_493 = arith.constant 10 : i32
        %add3A_494 = vector.broadcast %add3A_493 : i32 to vector<16xi32>
        %add3A_495 = arith.addi %iota3A, %add3A_494 : vector<16xi32>
        %and3A_496 = arith.constant 31 : i32
        %and3A_497 = vector.broadcast %and3A_496 : i32 to vector<16xi32>
        %and3A_498 = arith.andi %add3A_495, %and3A_497 : vector<16xi32>
        %mul3A_499 = arith.mulf %gather3A_201, %select_n3A : vector<16xf32>
        tpu.vector_store_idx %arg9[%add3A_99, %and3A_498], %mul3A_499 : memref<256x32xf32, #tpu.memory_space<vmem>>[vector<16xi32>, vector<16xi32>], vector<16xf32>,
        %add3A_500 = arith.constant 11 : i32
        %add3A_501 = vector.broadcast %add3A_500 : i32 to vector<16xi32>
        %add3A_502 = arith.addi %iota3A, %add3A_501 : vector<16xi32>
        %and3A_503 = arith.constant 31 : i32
        %and3A_504 = vector.broadcast %and3A_503 : i32 to vector<16xi32>
        %and3A_505 = arith.andi %add3A_502, %and3A_504 : vector<16xi32>
        %mul3A_506 = arith.mulf %gather3A_210, %select_n3A : vector<16xf32>
        tpu.vector_store_idx %arg9[%add3A_99, %and3A_505], %mul3A_506 : memref<256x32xf32, #tpu.memory_space<vmem>>[vector<16xi32>, vector<16xi32>], vector<16xf32>,
        %add3A_507 = arith.constant 12 : i32
        %add3A_508 = vector.broadcast %add3A_507 : i32 to vector<16xi32>
        %add3A_509 = arith.addi %iota3A, %add3A_508 : vector<16xi32>
        %and3A_510 = arith.constant 31 : i32
        %and3A_511 = vector.broadcast %and3A_510 : i32 to vector<16xi32>
        %and3A_512 = arith.andi %add3A_509, %and3A_511 : vector<16xi32>
        %mul3A_513 = arith.mulf %gather3A_219, %select_n3A : vector<16xf32>
        tpu.vector_store_idx %arg9[%add3A_99, %and3A_512], %mul3A_513 : memref<256x32xf32, #tpu.memory_space<vmem>>[vector<16xi32>, vector<16xi32>], vector<16xf32>,
        %add3A_514 = arith.constant 13 : i32
        %add3A_515 = vector.broadcast %add3A_514 : i32 to vector<16xi32>
        %add3A_516 = arith.addi %iota3A, %add3A_515 : vector<16xi32>
        %and3A_517 = arith.constant 31 : i32
        %and3A_518 = vector.broadcast %and3A_517 : i32 to vector<16xi32>
        %and3A_519 = arith.andi %add3A_516, %and3A_518 : vector<16xi32>
        %mul3A_520 = arith.mulf %gather3A_228, %select_n3A : vector<16xf32>
        tpu.vector_store_idx %arg9[%add3A_99, %and3A_519], %mul3A_520 : memref<256x32xf32, #tpu.memory_space<vmem>>[vector<16xi32>, vector<16xi32>], vector<16xf32>,
        %add3A_521 = arith.constant 14 : i32
        %add3A_522 = vector.broadcast %add3A_521 : i32 to vector<16xi32>
        %add3A_523 = arith.addi %iota3A, %add3A_522 : vector<16xi32>
        %and3A_524 = arith.constant 31 : i32
        %and3A_525 = vector.broadcast %and3A_524 : i32 to vector<16xi32>
        %and3A_526 = arith.andi %add3A_523, %and3A_525 : vector<16xi32>
        %mul3A_527 = arith.mulf %gather3A_237, %select_n3A : vector<16xf32>
        tpu.vector_store_idx %arg9[%add3A_99, %and3A_526], %mul3A_527 : memref<256x32xf32, #tpu.memory_space<vmem>>[vector<16xi32>, vector<16xi32>], vector<16xf32>,
        %add3A_528 = arith.constant 15 : i32
        %add3A_529 = vector.broadcast %add3A_528 : i32 to vector<16xi32>
        %add3A_530 = arith.addi %iota3A, %add3A_529 : vector<16xi32>
        %and3A_531 = arith.constant 31 : i32
        %and3A_532 = vector.broadcast %and3A_531 : i32 to vector<16xi32>
        %and3A_533 = arith.andi %add3A_530, %and3A_532 : vector<16xi32>
        %mul3A_534 = arith.mulf %gather3A_246, %select_n3A : vector<16xf32>
        tpu.vector_store_idx %arg9[%add3A_99, %and3A_533], %mul3A_534 : memref<256x32xf32, #tpu.memory_space<vmem>>[vector<16xi32>, vector<16xi32>], vector<16xf32>,
        %add3A_535 = arith.constant 16 : i32
        %add3A_536 = vector.broadcast %add3A_535 : i32 to vector<16xi32>
        %add3A_537 = arith.addi %iota3A, %add3A_536 : vector<16xi32>
        %and3A_538 = arith.constant 31 : i32
        %and3A_539 = vector.broadcast %and3A_538 : i32 to vector<16xi32>
        %and3A_540 = arith.andi %add3A_537, %and3A_539 : vector<16xi32>
        %mul3A_541 = arith.mulf %gather3A_255, %select_n3A : vector<16xf32>
        tpu.vector_store_idx %arg9[%add3A_99, %and3A_540], %mul3A_541 : memref<256x32xf32, #tpu.memory_space<vmem>>[vector<16xi32>, vector<16xi32>], vector<16xf32>,
        %add3A_542 = arith.constant 17 : i32
        %add3A_543 = vector.broadcast %add3A_542 : i32 to vector<16xi32>
        %add3A_544 = arith.addi %iota3A, %add3A_543 : vector<16xi32>
        %and3A_545 = arith.constant 31 : i32
        %and3A_546 = vector.broadcast %and3A_545 : i32 to vector<16xi32>
        %and3A_547 = arith.andi %add3A_544, %and3A_546 : vector<16xi32>
        %mul3A_548 = arith.mulf %gather3A_264, %select_n3A : vector<16xf32>
        tpu.vector_store_idx %arg9[%add3A_99, %and3A_547], %mul3A_548 : memref<256x32xf32, #tpu.memory_space<vmem>>[vector<16xi32>, vector<16xi32>], vector<16xf32>,
        %add3A_549 = arith.constant 18 : i32
        %add3A_550 = vector.broadcast %add3A_549 : i32 to vector<16xi32>
        %add3A_551 = arith.addi %iota3A, %add3A_550 : vector<16xi32>
        %and3A_552 = arith.constant 31 : i32
        %and3A_553 = vector.broadcast %and3A_552 : i32 to vector<16xi32>
        %and3A_554 = arith.andi %add3A_551, %and3A_553 : vector<16xi32>
        %mul3A_555 = arith.mulf %gather3A_273, %select_n3A : vector<16xf32>
        tpu.vector_store_idx %arg9[%add3A_99, %and3A_554], %mul3A_555 : memref<256x32xf32, #tpu.memory_space<vmem>>[vector<16xi32>, vector<16xi32>], vector<16xf32>,
        %add3A_556 = arith.constant 19 : i32
        %add3A_557 = vector.broadcast %add3A_556 : i32 to vector<16xi32>
        %add3A_558 = arith.addi %iota3A, %add3A_557 : vector<16xi32>
        %and3A_559 = arith.constant 31 : i32
        %and3A_560 = vector.broadcast %and3A_559 : i32 to vector<16xi32>
        %and3A_561 = arith.andi %add3A_558, %and3A_560 : vector<16xi32>
        %mul3A_562 = arith.mulf %gather3A_282, %select_n3A : vector<16xf32>
        tpu.vector_store_idx %arg9[%add3A_99, %and3A_561], %mul3A_562 : memref<256x32xf32, #tpu.memory_space<vmem>>[vector<16xi32>, vector<16xi32>], vector<16xf32>,
        %add3A_563 = arith.constant 20 : i32
        %add3A_564 = vector.broadcast %add3A_563 : i32 to vector<16xi32>
        %add3A_565 = arith.addi %iota3A, %add3A_564 : vector<16xi32>
        %and3A_566 = arith.constant 31 : i32
        %and3A_567 = vector.broadcast %and3A_566 : i32 to vector<16xi32>
        %and3A_568 = arith.andi %add3A_565, %and3A_567 : vector<16xi32>
        %mul3A_569 = arith.mulf %gather3A_291, %select_n3A : vector<16xf32>
        tpu.vector_store_idx %arg9[%add3A_99, %and3A_568], %mul3A_569 : memref<256x32xf32, #tpu.memory_space<vmem>>[vector<16xi32>, vector<16xi32>], vector<16xf32>,
        %add3A_570 = arith.constant 21 : i32
        %add3A_571 = vector.broadcast %add3A_570 : i32 to vector<16xi32>
        %add3A_572 = arith.addi %iota3A, %add3A_571 : vector<16xi32>
        %and3A_573 = arith.constant 31 : i32
        %and3A_574 = vector.broadcast %and3A_573 : i32 to vector<16xi32>
        %and3A_575 = arith.andi %add3A_572, %and3A_574 : vector<16xi32>
        %mul3A_576 = arith.mulf %gather3A_300, %select_n3A : vector<16xf32>
        tpu.vector_store_idx %arg9[%add3A_99, %and3A_575], %mul3A_576 : memref<256x32xf32, #tpu.memory_space<vmem>>[vector<16xi32>, vector<16xi32>], vector<16xf32>,
        %add3A_577 = arith.constant 22 : i32
        %add3A_578 = vector.broadcast %add3A_577 : i32 to vector<16xi32>
        %add3A_579 = arith.addi %iota3A, %add3A_578 : vector<16xi32>
        %and3A_580 = arith.constant 31 : i32
        %and3A_581 = vector.broadcast %and3A_580 : i32 to vector<16xi32>
        %and3A_582 = arith.andi %add3A_579, %and3A_581 : vector<16xi32>
        %mul3A_583 = arith.mulf %gather3A_309, %select_n3A : vector<16xf32>
        tpu.vector_store_idx %arg9[%add3A_99, %and3A_582], %mul3A_583 : memref<256x32xf32, #tpu.memory_space<vmem>>[vector<16xi32>, vector<16xi32>], vector<16xf32>,
        %add3A_584 = arith.constant 23 : i32
        %add3A_585 = vector.broadcast %add3A_584 : i32 to vector<16xi32>
        %add3A_586 = arith.addi %iota3A, %add3A_585 : vector<16xi32>
        %and3A_587 = arith.constant 31 : i32
        %and3A_588 = vector.broadcast %and3A_587 : i32 to vector<16xi32>
        %and3A_589 = arith.andi %add3A_586, %and3A_588 : vector<16xi32>
        %mul3A_590 = arith.mulf %gather3A_318, %select_n3A : vector<16xf32>
        tpu.vector_store_idx %arg9[%add3A_99, %and3A_589], %mul3A_590 : memref<256x32xf32, #tpu.memory_space<vmem>>[vector<16xi32>, vector<16xi32>], vector<16xf32>,
        %add3A_591 = arith.constant 24 : i32
        %add3A_592 = vector.broadcast %add3A_591 : i32 to vector<16xi32>
        %add3A_593 = arith.addi %iota3A, %add3A_592 : vector<16xi32>
        %and3A_594 = arith.constant 31 : i32
        %and3A_595 = vector.broadcast %and3A_594 : i32 to vector<16xi32>
        %and3A_596 = arith.andi %add3A_593, %and3A_595 : vector<16xi32>
        %mul3A_597 = arith.mulf %gather3A_327, %select_n3A : vector<16xf32>
        tpu.vector_store_idx %arg9[%add3A_99, %and3A_596], %mul3A_597 : memref<256x32xf32, #tpu.memory_space<vmem>>[vector<16xi32>, vector<16xi32>], vector<16xf32>,
        %add3A_598 = arith.constant 25 : i32
        %add3A_599 = vector.broadcast %add3A_598 : i32 to vector<16xi32>
        %add3A_600 = arith.addi %iota3A, %add3A_599 : vector<16xi32>
        %and3A_601 = arith.constant 31 : i32
        %and3A_602 = vector.broadcast %and3A_601 : i32 to vector<16xi32>
        %and3A_603 = arith.andi %add3A_600, %and3A_602 : vector<16xi32>
        %mul3A_604 = arith.mulf %gather3A_336, %select_n3A : vector<16xf32>
        tpu.vector_store_idx %arg9[%add3A_99, %and3A_603], %mul3A_604 : memref<256x32xf32, #tpu.memory_space<vmem>>[vector<16xi32>, vector<16xi32>], vector<16xf32>,
        %add3A_605 = arith.constant 26 : i32
        %add3A_606 = vector.broadcast %add3A_605 : i32 to vector<16xi32>
        %add3A_607 = arith.addi %iota3A, %add3A_606 : vector<16xi32>
        %and3A_608 = arith.constant 31 : i32
        %and3A_609 = vector.broadcast %and3A_608 : i32 to vector<16xi32>
        %and3A_610 = arith.andi %add3A_607, %and3A_609 : vector<16xi32>
        %mul3A_611 = arith.mulf %gather3A_345, %select_n3A : vector<16xf32>
        tpu.vector_store_idx %arg9[%add3A_99, %and3A_610], %mul3A_611 : memref<256x32xf32, #tpu.memory_space<vmem>>[vector<16xi32>, vector<16xi32>], vector<16xf32>,
        %add3A_612 = arith.constant 27 : i32
        %add3A_613 = vector.broadcast %add3A_612 : i32 to vector<16xi32>
        %add3A_614 = arith.addi %iota3A, %add3A_613 : vector<16xi32>
        %and3A_615 = arith.constant 31 : i32
        %and3A_616 = vector.broadcast %and3A_615 : i32 to vector<16xi32>
        %and3A_617 = arith.andi %add3A_614, %and3A_616 : vector<16xi32>
        %mul3A_618 = arith.mulf %gather3A_354, %select_n3A : vector<16xf32>
        tpu.vector_store_idx %arg9[%add3A_99, %and3A_617], %mul3A_618 : memref<256x32xf32, #tpu.memory_space<vmem>>[vector<16xi32>, vector<16xi32>], vector<16xf32>,
        %add3A_619 = arith.constant 28 : i32
        %add3A_620 = vector.broadcast %add3A_619 : i32 to vector<16xi32>
        %add3A_621 = arith.addi %iota3A, %add3A_620 : vector<16xi32>
        %and3A_622 = arith.constant 31 : i32
        %and3A_623 = vector.broadcast %and3A_622 : i32 to vector<16xi32>
        %and3A_624 = arith.andi %add3A_621, %and3A_623 : vector<16xi32>
        %mul3A_625 = arith.mulf %gather3A_363, %select_n3A : vector<16xf32>
        tpu.vector_store_idx %arg9[%add3A_99, %and3A_624], %mul3A_625 : memref<256x32xf32, #tpu.memory_space<vmem>>[vector<16xi32>, vector<16xi32>], vector<16xf32>,
        %add3A_626 = arith.constant 29 : i32
        %add3A_627 = vector.broadcast %add3A_626 : i32 to vector<16xi32>
        %add3A_628 = arith.addi %iota3A, %add3A_627 : vector<16xi32>
        %and3A_629 = arith.constant 31 : i32
        %and3A_630 = vector.broadcast %and3A_629 : i32 to vector<16xi32>
        %and3A_631 = arith.andi %add3A_628, %and3A_630 : vector<16xi32>
        %mul3A_632 = arith.mulf %gather3A_372, %select_n3A : vector<16xf32>
        tpu.vector_store_idx %arg9[%add3A_99, %and3A_631], %mul3A_632 : memref<256x32xf32, #tpu.memory_space<vmem>>[vector<16xi32>, vector<16xi32>], vector<16xf32>,
        %add3A_633 = arith.constant 30 : i32
        %add3A_634 = vector.broadcast %add3A_633 : i32 to vector<16xi32>
        %add3A_635 = arith.addi %iota3A, %add3A_634 : vector<16xi32>
        %and3A_636 = arith.constant 31 : i32
        %and3A_637 = vector.broadcast %and3A_636 : i32 to vector<16xi32>
        %and3A_638 = arith.andi %add3A_635, %and3A_637 : vector<16xi32>
        %mul3A_639 = arith.mulf %gather3A_381, %select_n3A : vector<16xf32>
        tpu.vector_store_idx %arg9[%add3A_99, %and3A_638], %mul3A_639 : memref<256x32xf32, #tpu.memory_space<vmem>>[vector<16xi32>, vector<16xi32>], vector<16xf32>,
        %add3A_640 = arith.constant 31 : i32
        %add3A_641 = vector.broadcast %add3A_640 : i32 to vector<16xi32>
        %add3A_642 = arith.addi %iota3A, %add3A_641 : vector<16xi32>
        %and3A_643 = arith.constant 31 : i32
        %and3A_644 = vector.broadcast %and3A_643 : i32 to vector<16xi32>
        %and3A_645 = arith.andi %add3A_642, %and3A_644 : vector<16xi32>
        %mul3A_646 = arith.mulf %gather3A_390, %select_n3A : vector<16xf32>
        tpu.vector_store_idx %arg9[%add3A_99, %and3A_645], %mul3A_646 : memref<256x32xf32, #tpu.memory_space<vmem>>[vector<16xi32>, vector<16xi32>], vector<16xf32>,
      }
      %scan3A_75 = arith.constant 16 : i32
      %add3A_76 = arith.constant 2 : i32
      %add3A_77 = arith.addi %add3A_63, %add3A_76 : i32
      %lt3A_78 = arith.constant 40 : i32
      %lt3A_79 = arith.cmpi slt, %add3A_77, %lt3A_78 : i32
      %convert_element_type3A_80 = arith.extui %lt3A_79 : i1 to i32
      %cond3A_81 = arith.constant 0 : i32
      %cond3A_82 = arith.cmpi ne, %convert_element_type3A_80, %cond3A_81 : i32
      scf.if %cond3A_82 {
        %add3A_95 = arith.constant 2 : i32
        %add3A_96 = arith.addi %add3A_63, %add3A_95 : i32
        %dma_start3A_97 = arith.constant 0 : i32
        %dma_start3A_98 = tpu.memref_slice %arg5[%add3A_96, %dma_start3A_97] : memref<40x256xi32, #tpu.memory_space<vmem>> -> memref<1x256xi32, #tpu.memory_space<vmem>>
        %dma_start3A_99 = tpu.memref_squeeze %dma_start3A_98 : memref<1x256xi32, #tpu.memory_space<vmem>> -> memref<256xi32, #tpu.memory_space<vmem>>
        %dma_start3A_100 = arith.constant 0 : i32
        %dma_start3A_101 = arith.constant 0 : i32
        %dma_start3A_102 = tpu.memref_slice %arg3[%dma_start3A_100, %dma_start3A_101] : memref<1000000x32xf32, #tpu.memory_space<hbm>> -> memref<1000000x32xf32, #tpu.memory_space<hbm>>
        tpu.enqueue_indirect_dma source(%dma_start3A_102 : memref<1000000x32xf32, #tpu.memory_space<hbm>>) target(%arg7 : memref<256x32xf32, #tpu.memory_space<vmem>>) offsets(%dma_start3A_99 : memref<256xi32, #tpu.memory_space<vmem>>) semaphore(%arg11 : memref<!tpu.dma_semaphore, #tpu.memory_space<semaphore_mem>>)
      } else {
      }
      %gt3A_83 = arith.constant 0 : i32
      %gt3A_84 = arith.cmpi sgt, %scan3A_28, %gt3A_83 : i32
      %convert_element_type3A_85 = arith.extui %gt3A_84 : i1 to i32
      %cond3A_86 = arith.constant 0 : i32
      %cond3A_87 = arith.cmpi ne, %convert_element_type3A_85, %cond3A_86 : i32
      scf.if %cond3A_87 {
        %dma_wait3A_95 = arith.constant 0 : i32
        %dma_wait3A_96 = tpu.memref_slice %arg4[%mul3A_2, %dma_wait3A_95] : memref<327680x32xf32, #tpu.memory_space<hbm>> -> memref<256x32xf32, #tpu.memory_space<hbm>>
        %dma_wait3A_97 = arith.constant 0 : i32
        %dma_wait3A_98 = tpu.memref_slice %arg4[%mul3A_2, %dma_wait3A_97] : memref<327680x32xf32, #tpu.memory_space<hbm>> -> memref<256x32xf32, #tpu.memory_space<hbm>>
        tpu.wait_dma2 semaphore(%arg13 : memref<!tpu.dma_semaphore, #tpu.memory_space<semaphore_mem>>) src(%arg9 : memref<256x32xf32, #tpu.memory_space<vmem>>) dst(%dma_wait3A_98 : memref<256x32xf32, #tpu.memory_space<hbm>>)
      } else {
      }
      %mul3A_88 = arith.constant 256 : i32
      %mul3A_89 = arith.muli %add3A_63, %mul3A_88 : i32
      %add3A_90 = arith.addi %mul3A_2, %mul3A_89 : i32
      %dma_start3A_91 = arith.constant 0 : i32
      %dma_start3A_92 = tpu.memref_slice %arg4[%add3A_90, %dma_start3A_91] : memref<327680x32xf32, #tpu.memory_space<hbm>> -> memref<256x32xf32, #tpu.memory_space<hbm>>
      %dma_start3A_93 = arith.constant 0 : i32
      %dma_start3A_94 = tpu.memref_slice %arg4[%add3A_90, %dma_start3A_93] : memref<327680x32xf32, #tpu.memory_space<hbm>> -> memref<256x32xf32, #tpu.memory_space<hbm>>
      tpu.enqueue_dma source(%arg9 : memref<256x32xf32, #tpu.memory_space<vmem>>) target(%dma_start3A_94 : memref<256x32xf32, #tpu.memory_space<hbm>>) target_semaphore(%arg13 : memref<!tpu.dma_semaphore, #tpu.memory_space<semaphore_mem>>)
    }
    %scan3A_20 = arith.constant 20 : i32
    %dma_wait3A = arith.constant 0 : i32
    %dma_wait3A_21 = tpu.memref_slice %arg4[%mul3A_2, %dma_wait3A] : memref<327680x32xf32, #tpu.memory_space<hbm>> -> memref<256x32xf32, #tpu.memory_space<hbm>>
    %dma_wait3A_22 = arith.constant 0 : i32
    %dma_wait3A_23 = tpu.memref_slice %arg4[%mul3A_2, %dma_wait3A_22] : memref<327680x32xf32, #tpu.memory_space<hbm>> -> memref<256x32xf32, #tpu.memory_space<hbm>>
    tpu.wait_dma2 semaphore(%arg12 : memref<!tpu.dma_semaphore, #tpu.memory_space<semaphore_mem>>) src(%arg8 : memref<256x32xf32, #tpu.memory_space<vmem>>) dst(%dma_wait3A_23 : memref<256x32xf32, #tpu.memory_space<hbm>>)
    %dma_wait3A_24 = arith.constant 0 : i32
    %dma_wait3A_25 = tpu.memref_slice %arg4[%mul3A_2, %dma_wait3A_24] : memref<327680x32xf32, #tpu.memory_space<hbm>> -> memref<256x32xf32, #tpu.memory_space<hbm>>
    %dma_wait3A_26 = arith.constant 0 : i32
    %dma_wait3A_27 = tpu.memref_slice %arg4[%mul3A_2, %dma_wait3A_26] : memref<327680x32xf32, #tpu.memory_space<hbm>> -> memref<256x32xf32, #tpu.memory_space<hbm>>
    tpu.wait_dma2 semaphore(%arg13 : memref<!tpu.dma_semaphore, #tpu.memory_space<semaphore_mem>>) src(%arg9 : memref<256x32xf32, #tpu.memory_space<vmem>>) dst(%dma_wait3A_27 : memref<256x32xf32, #tpu.memory_space<hbm>>)
    return
  }
}

</mosaic_0001>

<sc_bundles>
// kernel: kernel.3.cloned.1.call-start
scs
__scs_entry_jumppad:
0x0: {  	(pc) =	sbr.rel $0x88, $3  }
0x1: {  	(tag) =	ssettag $0x0;
	lr =	simm.s32 $0x1  }
0x2: {  	[smem:$0x3F9F] =	sst lr;
	_ =	strace $0xD0000000  }
0x3: {  	_ = 	snop  }
0x4: {  	_ = 	snop  }
0x5: {  	_ = 	snop  }
0x6: {  	_ = 	snop  }
0x7: {  	_ = 	snop  }
__scs_overlays_trampoline_lowered:
0x8: {  	[smem:$0x3FAE] =	sst s0  }
0x9: {  	[smem:$0x3FAF] =	sst s1  }
0xa: {  	[smem:$0x3FB0] =	sst s2  }
0xb: {  	[smem:$0x3FB1] =	sst s3  }
0xc: {  	[smem:$0x3FB2] =	sst s4  }
0xd: {  	[smem:$0x3FB3] =	sst s5  }
0xe: {  	[smem:$0x3FB4] =	sst s6  }
0xf: {  	[smem:$0x3FB5] =	sst s7  }
0x10: {  	[smem:$0x3FB6] =	sst s8  }
0x11: {  	[smem:$0x3FB7] =	sst s9;
	s0 =	simm.s32 @!p0 $0x0  }
0x12: {  	s1 =	sld [smem:$0x3F9D];
	s0 =	simm.s32 @p0 $0x1  }
0x13: {  	[smem:$0x3FB8] =	sst s0;
	s0 =	simm.s32 @!p1 $0x0  }
0x14: {  	s2 =	sld [smem:$0x3F9C];
	s0 =	simm.s32 @p1 $0x1  }
0x15: {  	[smem:$0x3FB9] =	sst s0;
	s0 =	simm.s32 @!p2 $0x0  }
0x16: {  	s3 =	sld [smem:$0x3FDB];
	s0 =	simm.s32 @p2 $0x1  }
0x17: {  	s4 =	simm.s32 $0x1BF5;
	[smem:$0x3FBB] =	sst s0  }
0x18: {  	s0 =	sld [smem:$0x3F9E];
	_ =	swait.ge [sflag:s4], $0x0  }
0x19: {  	s7 =	sld [smem:$0x3F9F]  }
0x1a: {  	s8 =	sadd.s32 $0xFFFFE003, lr  }
0x1b: {  	s9 =	sadd.s32 $0xFFFFFEF7, lr;
	s5 =	simm.s32 $0xFFFFFFFF;
	p2 =	slt.u32 s8, $0xFFFFF086  }
0x1c: {  	p1 =	slt.u32 s9, $0xF7A;
	s5 =	simm.s32 @!p2 $0x0  }
0x1d: {  	s5 =	simm.s32 @p1 $0x1;
	p0 =	seq.s32 s7, s2  }
0x1e: {  	s7 =	smul.u32 @!p0 $0xF7A, s2;
	p2 =	seq.s32 @!p0 s5, $0x0  }
0x1f: {  	s9 =	smul.u32 $0xF7A, s1;
	s8 =	simm.s32 @!p0 $0x1BF5;
	p2 =	por !p2, p0  }
0x20: {  	[sflag:s8] =	ssyncset.s32 @!p0 $0xFFFFF086;
	s6 =	sadd.s32 @!p0 s3, s7;
	s7 =	simm.s32 @!p0 $0x108  }
0x21: {  	s3 =	sadd.s32 s3, s9;
	s6 =	sadd.s32 @!p0 $0x88, s6;
	s7 =	simm.s32 @p2 $0x1082  }
0x22: {  	[simem:s7], [sflag:s8] =	dma.local @!p0 [hbm:s6], $0xF7A  }
0x23: {  	s9 =	sor.u32 $0xD0000000, s2;
	s6 =	simm.s32 $0x108;
	_ =	swait.ge @!p0 [sflag:s8], $0x0  }
0x24: {  	s3 =	sadd.s32 $0x88, s3;
	s6 =	simm.s32 @!p1 $0x1082;
	[sflag:s4] =	ssyncset.s32 $0xFFFFF086  }
0x25: {  	[simem:s6], [sflag:s4] =	dma.local [hbm:s3], $0xF7A  }
0x26: {  	[smem:$0x3F9F] =	sst s1;
	(tag) =	ssettag s2;
	_ =	strace s9  }
0x27: {  	s1 =	sld [smem:$0x3FAF]  }
0x28: {  	s2 =	sld [smem:$0x3FB0]  }
0x29: {  	s4 =	sld [smem:$0x3FB2]  }
0x2a: {  	p0 =	seq.s32 s5, $0x0;
	s5 =	sld [smem:$0x3FB3]  }
0x2b: {  	s6 =	sld [smem:$0x3FB4]  }
0x2c: {  	s7 =	sld [smem:$0x3FB5]  }
0x2d: {  	s3 =	simm.s32 $0x108;
	s8 =	sld [smem:$0x3FB6]  }
0x2e: {  	s3 =	simm.s32 @!p0 $0x1082;
	s9 =	sld [smem:$0x3FB7]  }
0x2f: {  	lr =	sadd.s32 s0, s3;
	s0 =	sld [smem:$0x3FAE]  }
0x30: {  	s3 =	sld [smem:$0x3FB1]  }
0x31: {  	[smem:$0x3FBA] =	sst s10  }
0x32: {  	s10 =	sld [smem:$0x3FB8];
	_ =	sdelay $0x3  }
0x33: {  	p0 =	seq.s32 s10, $0x1;
	s10 =	sld [smem:$0x3FBA];
	_ =	sdelay $0x3  }
0x34: {  	[smem:$0x3FBA] =	sst s10  }
0x35: {  	s10 =	sld [smem:$0x3FB9];
	_ =	sdelay $0x3  }
0x36: {  	p1 =	seq.s32 s10, $0x1;
	s10 =	sld [smem:$0x3FBA];
	_ =	sdelay $0x3  }
0x37: {  	[smem:$0x3FBA] =	sst s10  }
0x38: {  	s10 =	sld [smem:$0x3FBB]  }
0x39: {  	_ = 	snop;
	(pc) =	sbr.ind lr, $3  }
0x3a: {  	_ = 	snop  }
0x3b: {  	_ = 	snop  }
0x3c: {  	p2 =	seq.s32 s10, $0x1;
	s10 =	sld [smem:$0x3FBA]  }
0x3d: {  	_ =	shalt  }
0x3e: {  	_ =	shalt  }
0x3f: {  	_ =	shalt  }
0x40: {  	_ =	shalt  }
0x41: {  	_ =	shalt  }
0x42: {  	_ =	shalt  }
0x43: {  	_ =	shalt  }
0x44: {  	_ =	shalt  }
0x45: {  	_ =	shalt  }
0x46: {  	_ =	shalt  }
0x47: {  	_ =	shalt  }
0x48: {  	_ =	shalt  }
0x49: {  	_ =	shalt  }
0x4a: {  	_ =	shalt  }
0x4b: {  	_ =	shalt  }
0x4c: {  	_ =	shalt  }
0x4d: {  	_ =	shalt  }
0x4e: {  	_ =	shalt  }
0x4f: {  	_ =	shalt  }
0x50: {  	_ =	shalt  }
0x51: {  	_ =	shalt  }
0x52: {  	_ =	shalt  }
0x53: {  	_ =	shalt  }
0x54: {  	_ =	shalt  }
0x55: {  	_ =	shalt  }
0x56: {  	_ =	shalt  }
0x57: {  	_ =	shalt  }
0x58: {  	_ =	shalt  }
0x59: {  	_ =	shalt  }
0x5a: {  	_ =	shalt  }
0x5b: {  	_ =	shalt  }
0x5c: {  	_ =	shalt  }
0x5d: {  	_ =	shalt  }
0x5e: {  	_ =	shalt  }
0x5f: {  	_ =	shalt  }
0x60: {  	_ =	shalt  }
0x61: {  	_ =	shalt  }
0x62: {  	_ =	shalt  }
0x63: {  	_ =	shalt  }
0x64: {  	_ =	shalt  }
0x65: {  	_ =	shalt  }
0x66: {  	_ =	shalt  }
0x67: {  	_ =	shalt  }
0x68: {  	_ =	shalt  }
0x69: {  	_ =	shalt  }
0x6a: {  	_ =	shalt  }
0x6b: {  	_ =	shalt  }
0x6c: {  	_ =	shalt  }
0x6d: {  	_ =	shalt  }
0x6e: {  	_ =	shalt  }
0x6f: {  	_ =	shalt  }
0x70: {  	_ =	shalt  }
0x71: {  	_ =	shalt  }
0x72: {  	_ =	shalt  }
0x73: {  	_ =	shalt  }
0x74: {  	_ =	shalt  }
0x75: {  	_ =	shalt  }
0x76: {  	_ =	shalt  }
0x77: {  	_ =	shalt  }
0x78: {  	_ =	shalt  }
0x79: {  	_ =	shalt  }
0x7a: {  	_ =	shalt  }
0x7b: {  	_ =	shalt  }
0x7c: {  	_ =	shalt  }
0x7d: {  	_ =	shalt  }
0x7e: {  	_ =	shalt  }
0x7f: {  	_ =	shalt  }
0x80: {  	_ =	shalt  }
0x81: {  	_ =	shalt  }
0x82: {  	_ =	shalt  }
0x83: {  	_ =	shalt  }
0x84: {  	_ =	shalt  }
0x85: {  	_ =	shalt  }
0x86: {  	_ =	shalt  }
0x87: {  	_ =	shalt  }
.Lfunc_end0:
.L_simem_size_0:
called_computation.1_lowered:
.L_overlay_start_0:
0x88: {  	s2 =	sld [smem:$0x3FD9]  }
0x89: {  	s3 =	sld [smem:$0x3FFE];
	_ =	sdelay $0x1  }
0x8a: {  	s1 =	srdreg.scid  }
0x8b: {  	s0 =	sand.u32 $0x1, s1  }
0x8c: {  	s17 =	sshll.u32 s0, $0xA;
	s2 =	sadd.s32 s3, s2  }
0x8d: {  	s2 =	sadd.s32 s2, s17  }
0x8e: {  	[smem:$0x3FC6] =	sst s2  }
0x8f: {  	_ = 	snop  }
0x90: {  	s2 =	sld [smem:$0x3FD0];
	(tm) =	ssettm $0x1  }
0x91: {  	s18 =	sld [smem:$0x3FFB];
	_ =	sdelay $0x3  }
0x92: {  	_ =	strace s18  }
0x93: {  	s3 =	sld [smem:$0x3FFC];
	_ =	sdelay $0x3  }
0x94: {  	_ =	strace s3  }
0x95: {  	s3 =	sld [smem:$0x3FFD];
	_ =	sdelay $0x3  }
0x96: {  	_ =	strace s3  }
0x97: {  	_ =	strace $0x8FFFFFFF  }
0x98: {  	s19 =	sld [smem:$0x3FDB];
	_ =	sdelay $0x1  }
0x99: {  	s4 =	simm.s32 $_scs_section_size  }
0x9a: {  	s5 =	simm.s32 $_size__tile_overlayer_lowered;
	s6 =	simm.s32 $_tile_overlayer_lowered  }
0x9b: {  	s22 =	simm.s32 $0x1BFF;
	s21 =	sshll.u32 s6, $0x1;
	s3 =	sadd.s32 s4, s19  }
0x9c: {  	s7 =	simm.s32 $0x0;
	s20 =	sshll.u32 s5, $0x1;
	s5 =	sadd.s32 s21, s3  }
0x9d: {  	[timem:s7], [sflag:s22] =	dma.local [hbm:s5], s20  }
0x9e: {  	_ =	swait.ge [sflag:s22], s20  }
0x9f: {  	s4 =	ssub.s32 $0x0, s20;
	[sflag:s22] =	ssyncset.done $0x0  }
0xa0: {  	[sflag:s22] =	ssyncadd.s32 s4;
	_ =	sdelay $0x1  }
0xa1: {  	s23 =	simm.s32 $0x1B8B  }
0xa2: {  	_ =	swait.ge [sflag:s23], $0x1  }
0xa3: {  	[sflag:s23] =	ssyncset.done $0x0  }
0xa4: {  	s25 =	simm.s32 $0x1B8E;
	s24 =	sld [smem:$0x3FFE];
	[sflag:s23] =	ssyncadd.s32 $0xFFFFFFFF  }
0xa5: {  	s26 =	simm.s32 $execute0_lowered;
	[smem:$0x3FD2] =	sst s25  }
0xa6: {  	s5 =	sshll.u32 s26, $0x1;
	_ =	strace $0x80000046;
	[dreg:$0x1] =	wrdreg $0xFFFFFFFF  }
0xa7: {  	s28 =	simm.s32 $_size_execute0_lowered;
	s3 =	sadd.s32 s3, s5;
	[dreg:$0x0] =	wrdreg $0x0  }
0xa8: {  	s5 =	sshll.u32 s28, $0x1;
	[dreg:$0x2] =	wrdreg s3  }
0xa9: {  	[dreg:$0x3] =	wrdreg s5  }
0xaa: {  	[dreg:$0x4] =	wrdreg $0xC0  }
0xab: {  	_ =	task [dreg:s7], $0x5FFFF  }
0xac: {  	[dreg:$0x1] =	wrdreg $0xFFFFFFFF  }
0xad: {  	[dreg:$0x0] =	wrdreg $0x60  }
0xae: {  	[dreg:$0x2] =	wrdreg s24  }
0xaf: {  	[dreg:$0x3] =	wrdreg s2  }
0xb0: {  	[dreg:$0x4] =	wrdreg $0x9  }
0xb1: {  	_ =	task.clear_ibuf [dreg:s7], $0x5FFFF;
	_ =	strace $0x90000046  }
0xb2: {  	s29 =	simm.s32 $0x9;
	_ =	strace $0x80000048  }
0xb3: {  	_ =	swait.ge [sflag:s29], $0x1  }
0xb4: {  	[sflag:s29] =	ssyncadd.s32 $0xFFFFFFFF  }
0xb5: {  	_ =	strace $0x90000048  }
0xb6: {  	_ =	sfence  }
0xb7: {  	s30 =	sld [smem:$0x0];
	_ =	sdelay $0x2  }
0xb8: {  	s31 =	sshll.u32 s1, $0xD;
	s1 =	sshrl.u32 s1, $0x2  }
0xb9: {  	s3 =	sand.u32 $0x4000, s31;
	s1 =	sadd.s32 s1, s30  }
0xba: {  	s0 =	sor.u32 s3, s0;
	s1 =	sshll.u32 s1, $0x11  }
0xbb: {  	s0 =	sor.u32 s1, s0  }
0xbc: {  	s0 =	sadd.s32 $0x8F2B, s0  }
0xbd: {  	[sflag:s0] =	ssyncadd.remote.s32 $0x1  }
0xbe: {  	_ =	sfence.sel $0xFFFF  }
0xbf: {  	[dreg:$0x0] =	wrdreg $0xFFFFFFFF;
	(pc) =	sbr.abs _section_cstart, $3  }
0xc0: {  	[dreg:$0x1] =	wrdreg $0xFFFFFFFF  }
0xc1: {  	_ =	task.clear_ibuf [dreg:s7], $0x2FFFF;
	_ =	strace $0x9FFFFFFF  }
0xc2: {  	(tm) =	ssettm $0x7FFFFFFF  }
0xc3: {  	_ =	shalt  }
tec
execute0_lowered:
.L_overlay_start_1:
0x0: {  	(tag) =	ssettag $0x1  }
0x1: {  	v37 =	vlaneseq.u32  }
0x2: {  	v0 =	vimm.s32 $0x14131211;
	v1 =	vimm.s32 $0x18171615;
	v2 =	vimm.s32 $0x1C1B1A19  }
0x3: {  	v3 =	vimm.s32 $0x1F1E1D;
	v4 =	vimm.s32 $0x15141312;
	v5 =	vimm.s32 $0x19181716  }
0x4: {  	vm0 =	vcmask $0x1F10;
	v7 =	vimm.s32 $0x1D1C1B1A;
	v61 =	vimm.s32 $0x1001F1E  }
0x5: {  	v8 =	vimm.s32 $0x16151413;
	v9 =	vimm.s32 $0x1A191817;
	v10 =	vimm.s32 $0x1E1D1C1B  }
0x6: {  	v11 =	vimm.s32 $0x201001F;
	v12 =	vimm.s32 $0x3020100;
	v13 =	vimm.s32 $0x1F1E1D1C  }
0x7: {  	v14 =	vimm.s32 $0x17161514;
	v15 =	vimm.s32 $0x1B1A1918;
	v18 =	vimm.s32 $0x4030201  }
0x8: {  	vm15 =	vcmask $0x2F10;
	v62 =	vimm.s32 $0xB0A0908;
	vm1 =	vcmask $0x3F30  }
0x9: {  	v63 =	vimm.s32 $0xD0C0B0A;
	v54 =	vmul.u32 $0x20, v37;
	v55 =	vadd.s32 $0x1, v37  }
0xa: {  	v21 =	vadd.s32 $0x2, v37;
	v22 =	vadd.s32 $0x3, v37;
	v19 =	vadd.s32 $0x4, v37  }
0xb: {  	v23 =	vadd.s32 $0x5, v37;
	v20 =	vadd.s32 $0x6, v37;
	v25 =	vadd.s32 $0x7, v37  }
0xc: {  	v26 =	vadd.s32 $0x8, v37;
	v28 =	vadd.s32 $0x9, v37;
	v27 =	vadd.s32 $0xA, v37  }
0xd: {  	s4 =	rddreg [dreg:$0x0];
	v30 =	vadd.s32 $0xB, v37;
	v29 =	vadd.s32 $0xC, v37;
	v31 =	vadd.s32 $0xD, v37  }
0xe: {  	s2 =	rddreg [dreg:$0x1];
	s3 =	simm.s32 $0x0;
	v32 =	vadd.s32 $0xE, v37;
	v34 =	vadd.s32 $0xF, v37;
	v0 =	vunpack.c.0.s8.s32 v0  }
0xf: {  	s1 =	srdreg.scid;
	v1 =	vunpack.c.0.s8.s32 v1;
	v2 =	vunpack.c.0.s8.s32 v2;
	v3 =	vunpack.c.0.s8.s32 v3;
	[smem:$0x7FF] =	sst s3  }
0x10: {  	v4 =	vunpack.c.0.s8.s32 v4;
	v5 =	vunpack.c.0.s8.s32 v5;
	v8 =	vunpack.c.0.s8.s32 v8;
	s5 =	sand.u32 $0x1, s1;
	s1 =	rddreg [dreg:$0x2];
	_ =	strace $0x80000047;
	[tilespmem:$0x1FE10] =	vst v55  }
0x11: {  	v9 =	vunpack.c.0.s8.s32 v9;
	v10 =	vunpack.c.0.s8.s32 v10;
	v11 =	vunpack.c.0.s8.s32 v11;
	[tilespmem:$0x1FEB0] =	vst v19  }
0x12: {  	v12 =	vunpack.c.0.s8.s32 v12;
	v13 =	vunpack.c.0.s8.s32 v13;
	v14 =	vunpack.c.0.s8.s32 v14;
	[tilespmem:$0x1FEC0] =	vst v20  }
0x13: {  	v15 =	vunpack.c.0.s8.s32 v15;
	[tilespmem:$0x1FED0] =	vst v21;
	v0 =	vsel vm0, v1, v0;
	v6 =	vsel vm0, v3, v2  }
0x14: {  	[tilespmem:$0x1FEE0] =	vst v25;
	v8 =	vsel vm0, v9, v8;
	v17 =	vsel vm0, v11, v10;
	v12 =	vsel vm0, v12, v13  }
0x15: {  	[tilespmem:$0x1FF00] =	vst v26;
	v14 =	vsel vm0, v15, v14;
	v1 =	vsel vm0, v2, v1;
	v33 =	vcombine.low v0, v6  }
0x16: {  	[tilespmem:$0x1FF10] =	vst v27;
	v0 =	vsel vm0, v5, v4;
	v4 =	vunpack.c.0.s8.s32 v7;
	v7 =	vunpack.c.0.s8.s32 v61  }
0x17: {  	[tilespmem:$0x1FF20] =	vst v29;
	v35 =	vcombine.low v14, v12;
	v12 =	vunpack.c.0.s8.s32 v18;
	v14 =	vimm.s32 $0x5040302  }
0x18: {  	[tilespmem:$0x1FF30] =	vst v28;
	v48 =	vcombine.low v8, v17;
	v2 =	vunpack.c.0.s8.s32 v14;
	v14 =	vimm.s32 $0x6050403  }
0x19: {  	[tilespmem:$0x1FF40] =	vst v22;
	v16 =	vsel vm0, v7, v4;
	v8 =	vsel vm0, v12, v3;
	v4 =	vsel vm0, v4, v5  }
0x1a: {  	[tilespmem:$0x1FF60] =	vst v23;
	v5 =	vimm.s32 $0x98765432;
	v18 =	vcombine.low v0, v16;
	v0 =	vunpack.c.0.s8.s32 v14  }
0x1b: {  	[tilespmem:$0x1FF70] =	vst v30;
	v2 =	vsel vm0, v2, v7;
	v36 =	vcombine.low v1, v8;
	v1 =	vsel vm0, v10, v9  }
0x1c: {  	[tilespmem:$0x1FF80] =	vst v31;
	v12 =	vcombine.low v4, v2;
	v2 =	vimm.s32 $0x76543210;
	v4 =	vimm.s32 $0x87654321  }
0x1d: {  	[tilespmem:$0x1FF90] =	vst v32;
	v0 =	vsel vm0, v0, v11;
	v2 =	vunpack.c.l.s4.s8 v2;
	v4 =	vunpack.c.l.s4.s8 v4  }
0x1e: {  	[tilespmem:$0x1FFB0] =	vst v34;
	v8 =	vimm.s32 $0x32107654;
	v50 =	vcombine.low v1, v0;
	v1 =	vunpack.c.l.s4.s8 v5  }
0x1f: {  	[tilespmem:$0x1FE00] =	vst v54;
	v5 =	vimm.s32 $0xA9876543;
	v2 =	vunpack.c.0.s8.s32 v2;
	v4 =	vunpack.c.0.s8.s32 v4  }
0x20: {  	[tilespmem:$0x1FFA0] =	vst v33;
	v10 =	vor.u32 $0x10, v37;
	v0 =	vsel vm0, v13, v15;
	v5 =	vunpack.c.l.s4.s8 v5  }
0x21: {  	[tilespmem:$0x1FFC0] =	vst v35;
	v1 =	vunpack.c.0.s8.s32 v1;
	v9 =	vcombine.low v0, v2;
	v0 =	vand.u32 $0xF, v4  }
0x22: {  	[tilespmem:$0x1FFD0] =	vst v48;
	v2 =	vunpack.c.l.s4.s8 v8;
	v4 =	vimm.s32 $0x54329876;
	v52 =	vcombine.low v6, v0  }
0x23: {  	[tilespmem:$0x1FEA0] =	vst v10;
	v0 =	vand.u32 $0xF, v1;
	v1 =	vunpack.c.0.s8.s32 v5;
	v5 =	vimm.s32 $0x6543A987  }
0x24: {  	[tilespmem:$0x1FE30] =	vst v36;
	v40 =	vcombine.low v16, v0;
	v0 =	vunpack.c.0.s8.s32 v2;
	v2 =	vimm.s32 $0x43218765  }
0x25: {  	[tilespmem:$0x1FE90] =	vst v18;
	v8 =	vimm.s32 $0xE0D0C0B;
	v5 =	vunpack.c.l.s4.s8 v5;
	v2 =	vunpack.c.l.s4.s8 v2  }
0x26: {  	[tilespmem:$0x1FE50] =	vst v12;
	v4 =	vunpack.c.l.s4.s8 v4;
	v6 =	vunpack.c.0.s8.s32 v62;
	v8 =	vunpack.c.0.s8.s32 v8  }
0x27: {  	s0 =	stileid.u32;
	s10 =	simm.s32 $0x100;
	[tilespmem:$0x1FFE0] =	vst v50;
	v1 =	vand.u32 $0xF, v1;
	v5 =	vunpack.c.0.s8.s32 v5;
	v2 =	vunpack.c.0.s8.s32 v2  }
0x28: {  	s11 =	simm.s32 $0x2800;
	s12 =	simm.s32 $0x4800;
	s13 =	simm.s32 $0x1;
	[tilespmem:$0x1FEF0] =	vst v9;
	v4 =	vunpack.c.0.s8.s32 v4;
	v0 =	vand.u32 $0xF, v0;
	v1 =	vcombine.low v17, v1  }
0x29: {  	s14 =	simm.s32 $0x6800;
	s15 =	simm.s32 $0x2;
	s6 =	sshll.u32 s0, $0x1;
	[tilespmem:$0x1FE20] =	vst v52;
	v0 =	vsel vm15, v0, v13;
	v5 =	vand.u32 $0xF, v5;
	v2 =	vand.u32 $0xF, v2  }
0x2a: {  	s16 =	simm.s32 $0x8800;
	s17 =	simm.s32 $0x3;
	s6 =	sor.u32 s5, s6;
	[tilespmem:$0x1FF50] =	vst v40;
	v2 =	vsel vm15, v2, v3;
	v3 =	vand.u32 $0xF, v4;
	v4 =	vimm.s32 $0xC0B0A09  }
0x2b: {  	s18 =	simm.s32 $0x4;
	s5 =	ssub.s32 $0x2, s5;
	s7 =	smul.u32 $0x500, s6;
	[tilespmem:$0x1FE40] =	vst v1;
	v5 =	vsel vm15, v5, v11;
	v11 =	vsel vm1, v6, v0;
	v4 =	vunpack.c.0.s8.s32 v4  }
0x2c: {  	s19 =	simm.s32 $0x0;
	s8 =	sshrl.u32 s5, $0x1;
	s9 =	smul.u32 $0xA000, s6;
	v57 =	vsel vm1, v8, v5;
	[tilespmem:$0x1FE60] =	vst v11;
	v3 =	vsel vm15, v3, v7;
	v7 =	vunpack.c.0.s8.s32 v63  }
0x2d: {  	s6 =	smul.u32 $0x50000, s6;
	s8 =	ssub.s32 s5, s8;
	s7 =	sadd.s32 s7, s4;
	[tilespmem:$0x1FFF0] =	vst v57;
	v2 =	vsel vm1, v4, v2  }
0x2e: {  	s4 =	sadd.s32 $0xF42E00, s4;
	s31 =	sadd.s32 s9, s2;
	s9 =	simm.s32 $0x5;
	v3 =	vsel vm1, v7, v3;
	[tilespmem:$0x1FE70] =	vst v2  }
0x2f: {  	s5 =	sadd.s32 $0xA00, s7;
	s7 =	smax.u32 s8, $0x1;
	s8 =	sadd.s32 $0x400, s31;
	[tilespmem:$0x1FE80] =	vst v3  }
.LBB2_1:
0x30: {  	[tilespmem:s3], [sflag:$0x5] =	stream.linear.gather [hbm4b:s5+s3], $0x2800, $0x38;
	[tilespmem:$0xA800] =	vst v63  }
0x31: {  	_ =	swait.ge [sflag:s9], $0x2800  }
0x32: {  	[sflag:s9] =	ssyncset.done $0x0  }
0x33: {  	[sflag:s9] =	ssyncadd.s32 $0xFFFFD800  }
0x34: {  	[tilespmem:s11], [sflag:$0x1] =	stream.indirect.gather [hbm4b:s4+s10], $0x20, s3, s10, $0xb8;
	[tilespmem:$0xA800] =	vst v63  }
0x35: {  	s20 =	simm.s32 $0x0  }
0x36: {  	[tilespmem:s12], [sflag:$0x2] =	stream.indirect.gather [hbm4b:s4+s10], $0x20, s10, s10, $0xb8;
	[tilespmem:$0xA800] =	vst v63  }
.LBB2_2:
0x37: {  	s21 =	simm.s32 $0x0  }
0x38: {  	v0 =	vmov s21  }
0x39: {  	v0 =	vshll.u32 v0, $0x5  }
0x3a: {  	v24 =	vor.u32 v54, v0  }
0x3b: {  	v6 =	vor.u32 v37, v24;
	v8 =	vor.u32 v55, v24  }
0x3c: {  	[tilespmem:$0x1FD90] =	vst v8  }
0x3d: {  	v4 =	vor.u32 v20, v24;
	_ =	swait.ge [sflag:s13], $0x2000  }
0x3e: {  	v15 =	vor.u32 v19, v24;
	[sflag:s13] =	ssyncset.done $0x0  }
0x3f: {  	v7 =	vor.u32 v25, v24;
	[sflag:s13] =	ssyncadd.s32 $0xFFFFE000  }
0x40: {  	v5 =	vor.u32 v26, v24;
	v19 =	vld.idx.msk [tilespmem:v6+s11+$0x0], $0xffff  }
0x41: {  	v0 =	vor.u32 v10, v24;
	v20 =	vld.idx.msk [tilespmem:v8+s11+$0x0], $0xffff  }
0x42: {  	v13 =	vor.u32 v21, v24;
	v14 =	vld.idx.msk [tilespmem:v4+s11+$0x0], $0xffff  }
0x43: {  	v10 =	vor.u32 v27, v24;
	v21 =	vld.idx.msk [tilespmem:v15+s11+$0x0], $0xffff  }
0x44: {  	v38 =	vor.u32 v32, v24;
	v17 =	vld.idx.msk [tilespmem:v7+s11+$0x0], $0xffff  }
0x45: {  	v56 =	vor.u32 v18, v24;
	v16 =	vld.idx.msk [tilespmem:v5+s11+$0x0], $0xffff  }
0x46: {  	v18 =	vor.u32 v23, v24;
	[tilespmem:$0x1FDC0] =	vst v7;
	v7 =	vld.idx.msk [tilespmem:v0+s11+$0x0], $0xffff  }
0x47: {  	v41 =	vor.u32 v33, v24;
	v25 =	vld.idx.msk [tilespmem:v13+s11+$0x0], $0xffff  }
0x48: {  	v39 =	vor.u32 v12, v24;
	v27 =	vld.idx.msk [tilespmem:v10+s11+$0x0], $0xffff  }
0x49: {  	v42 =	vor.u32 v31, v24;
	[tilespmem:$0x1FDB0] =	vst v4;
	v4 =	vor.u32 v22, v24;
	v22 =	vld.idx.msk [tilespmem:v38+s11+$0x0], $0xffff  }
0x4a: {  	v12 =	vor.u32 v30, v24;
	v23 =	vld.idx.msk [tilespmem:v56+s11+$0x0], $0xffff  }
0x4b: {  	v40 =	vor.u32 v40, v24;
	v30 =	vld.idx.msk [tilespmem:v18+s11+$0x0], $0xffff  }
0x4c: {  	v43 =	vor.u32 v34, v24;
	v8 =	vor.u32 v29, v24;
	v34 =	vld.idx.msk [tilespmem:v41+s11+$0x0], $0xffff  }
0x4d: {  	[tilespmem:$0x1FDD0] =	vst v5;
	v5 =	vor.u32 v35, v24;
	v35 =	vld.idx.msk [tilespmem:v39+s11+$0x0], $0xffff  }
0x4e: {  	v44 =	vor.u32 v36, v24;
	v36 =	vld.idx.msk [tilespmem:v42+s11+$0x0], $0xffff  }
0x4f: {  	[tilespmem:$0x1FDA0] =	vst v15;
	v59 =	vld.idx.msk [tilespmem:v12+s11+$0x0], $0xffff  }
0x50: {  	v48 =	vor.u32 v48, v24;
	v50 =	vor.u32 v50, v24;
	[tilespmem:$0x1FDF0] =	vst v10;
	v60 =	vld.idx.msk [tilespmem:v40+s11+$0x0], $0xffff  }
0x51: {  	[tilespmem:$0x1FD60] =	vst v8;
	v15 =	vld.idx.msk [tilespmem:v8+s11+$0x0], $0xffff;
	v8 =	vor.u32 v28, v24;
	v28 =	vmul.f32 v19, v19  }
0x52: {  	[tilespmem:$0x1FD50] =	vst v0;
	v61 =	vld.idx.msk [tilespmem:v43+s11+$0x0], $0xffff;
	v29 =	vmul.f32 v21, v21;
	v31 =	vmul.f32 v16, v16  }
0x53: {  	v0 =	vor.u32 v9, v24;
	v26 =	vld.idx.msk [tilespmem:v4+s11+$0x0], $0xffff;
	v63 =	vmul.f32 v14, v14;
	v45 =	vmul.f32 v25, v25  }
0x54: {  	[tilespmem:$0x1FD70] =	vst v5;
	v51 =	vmul.f32 v20, v20;
	v49 =	vmul.f32 v27, v27;
	v28 =	vadd.f32 v29, v28  }
0x55: {  	[tilespmem:$0x1FD80] =	vst v0;
	v58 =	vmul.f32 v23, v23;
	v29 =	vmul.f32 v17, v17;
	v32 =	vadd.f32 v63, v45  }
0x56: {  	v9 =	vld.idx.msk [tilespmem:v5+s11+$0x0], $0xffff;
	v45 =	vor.u32 v52, v24;
	v28 =	vadd.f32 v31, v28;
	v46 =	vmul.f32 v15, v15  }
0x57: {  	v52 =	vor.u32 v1, v24;
	v32 =	vadd.f32 v49, v32;
	v49 =	vmul.f32 v22, v22;
	v33 =	vld.idx.msk [tilespmem:v8+s11+$0x0], $0xffff  }
0x58: {  	v10 =	vld.idx.msk [tilespmem:v0+s11+$0x0], $0xffff;
	v31 =	vmul.f32 v7, v7;
	v47 =	vmul.f32 v26, v26;
	v28 =	vadd.f32 v46, v28  }
0x59: {  	v5 =	vld.idx.msk [tilespmem:v48+s11+$0x0], $0xffff;
	v62 =	vmul.f32 v59, v59;
	v32 =	vadd.f32 v49, v32;
	v49 =	vor.u32 v2, v24  }
0x5a: {  	[tilespmem:$0x1FDE0] =	vst v8;
	v29 =	vadd.f32 v29, v47;
	v28 =	vadd.f32 v31, v28;
	v31 =	vmul.f32 v30, v30  }
0x5b: {  	v63 =	vld.idx.msk [tilespmem:v44+s11+$0x0], $0xffff;
	v46 =	vor.u32 v11, v24;
	v47 =	vor.u32 v57, v24;
	v57 =	vmul.f32 v9, v9  }
0x5c: {  	v8 =	vld.idx.msk [tilespmem:v45+s11+$0x0], $0xffff;
	v32 =	vadd.f32 v58, v32;
	v53 =	vmul.f32 v33, v33;
	v31 =	vadd.f32 v31, v51  }
0x5d: {  	v11 =	vld.idx.msk [tilespmem:v52+s11+$0x0], $0xffff;
	v51 =	vor.u32 v3, v24;
	v24 =	vadd.f32 v62, v29;
	v29 =	vmul.f32 v35, v35  }
0x5e: {  	v58 =	vmul.f32 v36, v36;
	v3 =	vld.idx.msk [tilespmem:v50+s11+$0x0], $0xffff;
	v62 =	vmul.f32 v61, v61;
	v31 =	vadd.f32 v53, v31  }
0x5f: {  	v0 =	vmul.f32 v34, v34;
	v28 =	vadd.f32 v57, v28;
	v57 =	vld.idx.msk [tilespmem:v49+s11+$0x0], $0xffff;
	v29 =	vadd.f32 v29, v32  }
0x60: {  	v53 =	vld.idx.msk [tilespmem:v46+s11+$0x0], $0xffff;
	v24 =	vadd.f32 v62, v24;
	v32 =	vmul.f32 v5, v5;
	v31 =	vadd.f32 v58, v31  }
0x61: {  	v1 =	vmul.f32 v63, v63;
	v62 =	vld.idx.msk [tilespmem:v47+s11+$0x0], $0xffff  }
0x62: {  	v24 =	vadd.f32 v32, v24;
	v32 =	vmul.f32 v60, v60;
	v58 =	vld.idx.msk [tilespmem:v51+s11+$0x0], $0xffff;
	v2 =	vadd.f32 v0, v31  }
0x63: {  	v31 =	vmul.f32 v10, v10;
	v0 =	vmul.f32 v3, v3  }
0x64: {  	v29 =	vadd.f32 v32, v29;
	v1 =	vadd.f32 v1, v2;
	v2 =	vmul.f32 v8, v8  }
0x65: {  	v28 =	vadd.f32 v31, v28;
	v0 =	vadd.f32 v0, v24;
	v24 =	vmul.f32 v11, v11  }
0x66: {  	v31 =	vmul.f32 v57, v57;
	v1 =	vadd.f32 v2, v1;
	v2 =	vmul.f32 v53, v53  }
0x67: {  	v32 =	vmul.f32 v62, v62;
	v0 =	vadd.f32 v24, v0;
	v24 =	vmul.f32 v58, v58  }
0x68: {  	v2 =	vadd.f32 v2, v28;
	v1 =	vadd.f32 v31, v1  }
0x69: {  	v24 =	vadd.f32 v24, v29;
	v0 =	vadd.f32 v32, v0;
	_ =	sdelay $0x1  }
0x6a: {  	v1 =	vadd.f32 v1, v2;
	v0 =	vadd.f32 v0, v24;
	_ =	sdelay $0x1  }
0x6b: {  	v0 =	vadd.f32 v0, v1;
	_ =	sdelay $0x1  }
0x6c: {  	v1 =	vshra.s32 v0, $0x1;
	v2 =	vmul.f32 $5.000000000e-01, v0  }
0x6d: {  	v1 =	vsub.s32 $0x5F3759DF, v1  }
0x6e: {  	v32 =	vmul.f32 v1, v2;
	_ =	sdelay $0x1  }
0x6f: {  	v24 =	vmul.f32 v1, v32;
	_ =	sdelay $0x1  }
0x70: {  	v24 =	vsub.f32 $1.500000000e+00, v24;
	_ =	sdelay $0x1  }
0x71: {  	v1 =	vmul.f32 v1, v24;
	_ =	sdelay $0x1  }
0x72: {  	v2 =	vmul.f32 v1, v2;
	_ =	sdelay $0x1  }
0x73: {  	v2 =	vmul.f32 v2, v1;
	_ =	sdelay $0x1  }
0x74: {  	v2 =	vsub.f32 $1.500000000e+00, v2;
	_ =	sdelay $0x1  }
0x75: {  	v1 =	vmul.f32 v2, v1  }
0x76: {  	vm0 =	vgt.f32 v0, $1.000000000e+00  }
0x77: {  	v31 =	vnsel vm0, $0x3F800000, v1  }
0x78: {  	v1 =	vmul.f32 v31, v20;
	v20 =	vld [tilespmem:$0x1FD90];
	_ =	sdelay $0x4  }
0x79: {  	v0 =	vmul.f32 v31, v19;
	_ =	sdelay $0x1  }
0x7a: {  	v2 =	vmul.f32 v31, v25;
	[tilespmem:v6+s14+$0x0] =	vst.idx.msk $0xffff, v0  }
0x7b: {  	[tilespmem:v20+s14+$0x0] =	vst.idx.msk $0xffff, v1  }
0x7c: {  	[tilespmem:v13+s14+$0x0] =	vst.idx.msk $0xffff, v2;
	v2 =	vld [tilespmem:$0x1FDA0];
	_ =	sdelay $0x4  }
0x7d: {  	v19 =	vmul.f32 v31, v26  }
0x7e: {  	v0 =	vmul.f32 v31, v21  }
0x7f: {  	[tilespmem:v4+s14+$0x0] =	vst.idx.msk $0xffff, v19  }
0x80: {  	[tilespmem:v2+s14+$0x0] =	vst.idx.msk $0xffff, v0;
	v0 =	vld [tilespmem:$0x1FDB0];
	_ =	sdelay $0x4  }
0x81: {  	v6 =	vmul.f32 v31, v30  }
0x82: {  	v1 =	vmul.f32 v31, v14  }
0x83: {  	[tilespmem:v18+s14+$0x0] =	vst.idx.msk $0xffff, v6  }
0x84: {  	[tilespmem:v0+s14+$0x0] =	vst.idx.msk $0xffff, v1;
	v0 =	vld [tilespmem:$0x1FDC0];
	_ =	sdelay $0x5  }
0x85: {  	v17 =	vmul.f32 v31, v17;
	_ =	sdelay $0x1  }
0x86: {  	[tilespmem:v0+s14+$0x0] =	vst.idx.msk $0xffff, v17;
	v0 =	vld [tilespmem:$0x1FDD0];
	_ =	sdelay $0x5  }
0x87: {  	v16 =	vmul.f32 v31, v16;
	_ =	sdelay $0x1  }
0x88: {  	[tilespmem:v0+s14+$0x0] =	vst.idx.msk $0xffff, v16;
	v0 =	vld [tilespmem:$0x1FDE0];
	_ =	sdelay $0x5  }
0x89: {  	v20 =	vmul.f32 v31, v33;
	_ =	sdelay $0x1  }
0x8a: {  	[tilespmem:v0+s14+$0x0] =	vst.idx.msk $0xffff, v20;
	v0 =	vld [tilespmem:$0x1FDF0]  }
0x8b: {  	v59 =	vmul.f32 v31, v59;
	v9 =	vmul.f32 v31, v9  }
0x8c: {  	v10 =	vmul.f32 v31, v10;
	v33 =	vmul.f32 v31, v27  }
0x8d: {  	v14 =	vmul.f32 v31, v22;
	v13 =	vmul.f32 v31, v36  }
0x8e: {  	v19 =	vmul.f32 v31, v15;
	v4 =	vmul.f32 v31, v7  }
0x8f: {  	v15 =	vmul.f32 v31, v23;
	v7 =	vmul.f32 v31, v63  }
0x90: {  	v2 =	vmul.f32 v31, v5;
	v5 =	vmul.f32 v31, v3  }
0x91: {  	v3 =	vmul.f32 v31, v8;
	v8 =	vmul.f32 v31, v60  }
0x92: {  	v6 =	vmul.f32 v31, v61;
	v1 =	vmul.f32 v31, v34;
	[tilespmem:v0+s14+$0x0] =	vst.idx.msk $0xffff, v33  }
0x93: {  	s21 =	simm.s32 $0x10;
	v16 =	vmul.f32 v31, v35;
	v0 =	vmul.f32 v31, v11;
	[tilespmem:v12+s14+$0x0] =	vst.idx.msk $0xffff, v59  }
.LBB2_3:
0x94: {  	v11 =	vld [tilespmem:$0x1FD60];
	_ =	sdelay $0x7  }
0x95: {  	[tilespmem:v11+s14+$0x0] =	vst.idx.msk $0xffff, v19  }
0x96: {  	[tilespmem:v42+s14+$0x0] =	vst.idx.msk $0xffff, v13  }
0x97: {  	[tilespmem:v38+s14+$0x0] =	vst.idx.msk $0xffff, v14  }
0x98: {  	[tilespmem:v43+s14+$0x0] =	vst.idx.msk $0xffff, v6;
	v6 =	vld [tilespmem:$0x1FD50];
	_ =	sdelay $0x7  }
0x99: {  	[tilespmem:v6+s14+$0x0] =	vst.idx.msk $0xffff, v4  }
0x9a: {  	[tilespmem:v41+s14+$0x0] =	vst.idx.msk $0xffff, v1;
	v1 =	vld [tilespmem:$0x1FD70];
	_ =	sdelay $0x2  }
0x9b: {  	[tilespmem:v56+s14+$0x0] =	vst.idx.msk $0xffff, v15  }
0x9c: {  	[tilespmem:v48+s14+$0x0] =	vst.idx.msk $0xffff, v2;
	v2 =	vld [tilespmem:$0x1FD80];
	_ =	sdelay $0x3  }
0x9d: {  	[tilespmem:v1+s14+$0x0] =	vst.idx.msk $0xffff, v9  }
0x9e: {  	v4 =	vld [tilespmem:$0x1FEE0];
	[tilespmem:v44+s14+$0x0] =	vst.idx.msk $0xffff, v7  }
0x9f: {  	s22 =	smov.u32 s21;
	[tilespmem:v39+s14+$0x0] =	vst.idx.msk $0xffff, v16  }
0xa0: {  	v12 =	vmul.f32 v31, v57;
	v1 =	vmov s22;
	[tilespmem:v50+s14+$0x0] =	vst.idx.msk $0xffff, v5  }
0xa1: {  	v17 =	vmul.f32 v31, v62;
	v11 =	vmul.f32 v31, v53;
	v1 =	vshll.u32 v1, $0x5;
	[tilespmem:v2+s14+$0x0] =	vst.idx.msk $0xffff, v10  }
0xa2: {  	v13 =	vmul.f32 v31, v58;
	v31 =	vor.u32 v54, v1;
	[tilespmem:v45+s14+$0x0] =	vst.idx.msk $0xffff, v3  }
0xa3: {  	[tilespmem:v40+s14+$0x0] =	vst.idx.msk $0xffff, v8;
	v8 =	vor.u32 v4, v31;
	v4 =	vld [tilespmem:$0x1FF00];
	_ =	sdelay $0x4  }
0xa4: {  	v5 =	vor.u32 v4, v31;
	v4 =	vld [tilespmem:$0x1FF20];
	_ =	sdelay $0x3  }
0xa5: {  	v1 =	vld [tilespmem:$0x1FF40]  }
0xa6: {  	v9 =	vor.u32 v4, v31;
	v4 =	vld [tilespmem:$0x1FEA0]  }
0xa7: {  	v28 =	vld [tilespmem:$0x1FFB0]  }
0xa8: {  	v57 =	vld [tilespmem:$0x1FE20]  }
0xa9: {  	v35 =	vld [tilespmem:$0x1FFE0]  }
0xaa: {  	v63 =	vor.u32 v1, v31;
	v1 =	vld [tilespmem:$0x1FF60]  }
0xab: {  	v7 =	vor.u32 v4, v31;
	v4 =	vld [tilespmem:$0x1FF10]  }
0xac: {  	v36 =	vld [tilespmem:$0x1FE60]  }
0xad: {  	v54 =	vld [tilespmem:$0x1FFD0]  }
0xae: {  	v43 =	vor.u32 v28, v31;
	v28 =	vld [tilespmem:$0x1FF50]  }
0xaf: {  	v59 =	vor.u32 v1, v31;
	v1 =	vld [tilespmem:$0x1FEC0]  }
0xb0: {  	[tilespmem:v52+s14+$0x0] =	vst.idx.msk $0xffff, v0;
	v61 =	vor.u32 v4, v31;
	v4 =	vld [tilespmem:$0x1FF70]  }
0xb1: {  	v50 =	vor.u32 v35, v31;
	v35 =	vld [tilespmem:$0x1FE70];
	[tilespmem:v46+s14+$0x0] =	vst.idx.msk $0xffff, v11  }
0xb2: {  	v0 =	vld [tilespmem:$0x1FED0];
	[tilespmem:v49+s14+$0x0] =	vst.idx.msk $0xffff, v12  }
0xb3: {  	v11 =	vld [tilespmem:$0x1FE90];
	[tilespmem:v51+s14+$0x0] =	vst.idx.msk $0xffff, v13  }
0xb4: {  	[tilespmem:v47+s14+$0x0] =	vst.idx.msk $0xffff, v17;
	v6 =	vor.u32 v1, v31;
	v1 =	vld [tilespmem:$0x1FEB0]  }
0xb5: {  	v60 =	vor.u32 v4, v31;
	v4 =	vld.idx.msk [tilespmem:v7+s11+$0x0], $0xffff  }
0xb6: {  	[tilespmem:$0x1FD50] =	vst v7;
	v7 =	vld [tilespmem:$0x1FFC0]  }
0xb7: {  	v46 =	vor.u32 v36, v31;
	v36 =	vld [tilespmem:$0x1FFF0]  }
0xb8: {  	v3 =	vor.u32 v37, v31;
	v49 =	vor.u32 v35, v31;
	v35 =	vld [tilespmem:$0x1FE80]  }
0xb9: {  	v10 =	vld.idx.msk [tilespmem:v8+s11+$0x0], $0xffff  }
0xba: {  	v19 =	vld.idx.msk [tilespmem:v63+s11+$0x0], $0xffff;
	v1 =	vor.u32 v1, v31  }
0xbb: {  	v16 =	vor.u32 v7, v31;
	v7 =	vld [tilespmem:$0x1FF90]  }
0xbc: {  	v56 =	vor.u32 v11, v31;
	v11 =	vld [tilespmem:$0x1FE50]  }
0xbd: {  	v0 =	vor.u32 v0, v31;
	v12 =	vld.idx.msk [tilespmem:v3+s11+$0x0], $0xffff  }
0xbe: {  	[tilespmem:$0x1FD30] =	vst v8;
	v8 =	vld.idx.msk [tilespmem:v5+s11+$0x0], $0xffff  }
0xbf: {  	v13 =	vld.idx.msk [tilespmem:v1+s11+$0x0], $0xffff  }
0xc0: {  	v38 =	vor.u32 v7, v31;
	v7 =	vld [tilespmem:$0x1FEF0]  }
0xc1: {  	v20 =	vmul.f32 v10, v10;
	v27 =	vmul.f32 v19, v19;
	v39 =	vor.u32 v11, v31;
	v11 =	vld [tilespmem:$0x1FFA0]  }
0xc2: {  	v18 =	vld.idx.msk [tilespmem:v0+s11+$0x0], $0xffff  }
0xc3: {  	[tilespmem:$0x1FD40] =	vst v5;
	v33 =	vadd.f32 v20, v27;
	v20 =	vld [tilespmem:$0x1FE30]  }
0xc4: {  	v2 =	vor.u32 v55, v31;
	v5 =	vmul.f32 v12, v12;
	[tilespmem:$0x1FD60] =	vst v9;
	v9 =	vld.idx.msk [tilespmem:v9+s11+$0x0], $0xffff  }
0xc5: {  	[tilespmem:$0x1FD20] =	vst v6;
	v6 =	vld.idx.msk [tilespmem:v6+s11+$0x0], $0xffff;
	v23 =	vor.u32 v7, v31;
	v7 =	vmul.f32 v13, v13  }
0xc6: {  	v41 =	vor.u32 v11, v31;
	v11 =	vld [tilespmem:$0x1FF80]  }
0xc7: {  	v17 =	vadd.f32 v7, v5;
	v5 =	vld [tilespmem:$0x1FF30]  }
0xc8: {  	v21 =	vmul.f32 v8, v8;
	v15 =	vld.idx.msk [tilespmem:v61+s11+$0x0], $0xffff  }
0xc9: {  	v7 =	vld.idx.msk [tilespmem:v16+s11+$0x0], $0xffff  }
0xca: {  	v40 =	vor.u32 v28, v31;
	v14 =	vld.idx.msk [tilespmem:v2+s11+$0x0], $0xffff;
	v25 =	vmul.f32 v9, v9;
	v21 =	vadd.f32 v21, v17  }
0xcb: {  	v52 =	vmul.f32 v18, v18;
	v22 =	vmul.f32 v6, v6;
	v42 =	vor.u32 v11, v31;
	v11 =	vld.idx.msk [tilespmem:v23+s11+$0x0], $0xffff  }
0xcc: {  	v24 =	vld.idx.msk [tilespmem:v59+s11+$0x0], $0xffff;
	v26 =	vmul.f32 v4, v4;
	v53 =	vadd.f32 v25, v21;
	v5 =	vor.u32 v5, v31  }
0xcd: {  	v22 =	vadd.f32 v22, v52;
	v28 =	vmul.f32 v15, v15;
	[tilespmem:$0x1FD70] =	vst v16;
	v16 =	vld.idx.msk [tilespmem:v38+s11+$0x0], $0xffff  }
0xce: {  	v44 =	vor.u32 v20, v31;
	v20 =	vld.idx.msk [tilespmem:v39+s11+$0x0], $0xffff;
	v29 =	vmul.f32 v7, v7;
	v26 =	vadd.f32 v26, v53  }
0xcf: {  	v22 =	vadd.f32 v28, v22;
	v28 =	vld.idx.msk [tilespmem:v60+s11+$0x0], $0xffff  }
0xd0: {  	v17 =	vld.idx.msk [tilespmem:v56+s11+$0x0], $0xffff;
	v27 =	vmul.f32 v11, v11;
	v62 =	vadd.f32 v29, v26  }
0xd1: {  	[tilespmem:$0x1FD80] =	vst v23;
	v23 =	vld.idx.msk [tilespmem:v5+s11+$0x0], $0xffff  }
0xd2: {  	v32 =	vmul.f32 v16, v16;
	v34 =	vadd.f32 v27, v62;
	v62 =	vld [tilespmem:$0x1FE40]  }
0xd3: {  	v45 =	vor.u32 v57, v31;
	v48 =	vor.u32 v54, v31;
	v25 =	vld.idx.msk [tilespmem:v42+s11+$0x0], $0xffff  }
0xd4: {  	v30 =	vmul.f32 v14, v14;
	v58 =	vmul.f32 v24, v24;
	v32 =	vadd.f32 v32, v22;
	v22 =	vld.idx.msk [tilespmem:v40+s11+$0x0], $0xffff  }
0xd5: {  	v29 =	vld.idx.msk [tilespmem:v43+s11+$0x0], $0xffff  }
0xd6: {  	v37 =	vadd.f32 v58, v30;
	v21 =	vld.idx.msk [tilespmem:v41+s11+$0x0], $0xffff;
	v55 =	vmul.f32 v17, v17;
	v51 =	vmul.f32 v23, v23  }
0xd7: {  	v47 =	vor.u32 v36, v31;
	v26 =	vld.idx.msk [tilespmem:v44+s11+$0x0], $0xffff;
	v52 =	vor.u32 v62, v31  }
0xd8: {  	v30 =	vld.idx.msk [tilespmem:v48+s11+$0x0], $0xffff;
	v57 =	vmul.f32 v20, v20;
	v32 =	vadd.f32 v55, v32;
	v53 =	vadd.f32 v51, v37  }
0xd9: {  	v27 =	vld.idx.msk [tilespmem:v45+s11+$0x0], $0xffff;
	v37 =	vmul.f32 v25, v25;
	v51 =	vor.u32 v35, v31;
	v31 =	vmul.f32 v28, v28  }
0xda: {  	v57 =	vadd.f32 v57, v32;
	v32 =	vld.idx.msk [tilespmem:v50+s11+$0x0], $0xffff;
	v36 =	vmul.f32 v29, v29;
	v35 =	vmul.f32 v22, v22  }
0xdb: {  	v62 =	vmul.f32 v21, v21;
	v58 =	vadd.f32 v37, v53;
	v53 =	vld.idx.msk [tilespmem:v46+s11+$0x0], $0xffff;
	v31 =	vadd.f32 v31, v33  }
0xdc: {  	v54 =	vmul.f32 v26, v26;
	v35 =	vadd.f32 v35, v57;
	v33 =	vld.idx.msk [tilespmem:v52+s11+$0x0], $0xffff  }
0xdd: {  	v57 =	vld.idx.msk [tilespmem:v49+s11+$0x0], $0xffff;
	v62 =	vadd.f32 v62, v58;
	v31 =	vadd.f32 v36, v31;
	v36 =	vmul.f32 v30, v30  }
0xde: {  	v58 =	vld.idx.msk [tilespmem:v51+s11+$0x0], $0xffff  }
0xdf: {  	v55 =	vmul.f32 v32, v32;
	v37 =	vadd.f32 v54, v62;
	v62 =	vld.idx.msk [tilespmem:v47+s11+$0x0], $0xffff;
	v31 =	vadd.f32 v36, v31  }
0xe0: {  	v54 =	vmul.f32 v27, v27  }
0xe1: {  	v31 =	vadd.f32 v55, v31;
	v36 =	vmul.f32 v33, v33  }
0xe2: {  	v37 =	vadd.f32 v54, v37;
	v54 =	vmul.f32 v53, v53  }
0xe3: {  	v55 =	vmul.f32 v57, v57;
	v31 =	vadd.f32 v36, v31  }
0xe4: {  	v34 =	vadd.f32 v54, v34;
	v36 =	vmul.f32 v58, v58;
	v54 =	vmul.f32 v62, v62  }
0xe5: {  	v37 =	vadd.f32 v55, v37  }
0xe6: {  	v35 =	vadd.f32 v36, v35;
	v31 =	vadd.f32 v54, v31;
	_ =	sdelay $0x1  }
0xe7: {  	v34 =	vadd.f32 v37, v34;
	v31 =	vadd.f32 v31, v35;
	_ =	sdelay $0x1  }
0xe8: {  	v31 =	vadd.f32 v31, v34;
	_ =	sdelay $0x1  }
0xe9: {  	v34 =	vshra.s32 v31, $0x1;
	v35 =	vmul.f32 $5.000000000e-01, v31  }
0xea: {  	v34 =	vsub.s32 $0x5F3759DF, v34  }
0xeb: {  	v36 =	vmul.f32 v34, v35;
	_ =	sdelay $0x1  }
0xec: {  	v36 =	vmul.f32 v34, v36;
	_ =	sdelay $0x1  }
0xed: {  	v36 =	vsub.f32 $1.500000000e+00, v36;
	_ =	sdelay $0x1  }
0xee: {  	v34 =	vmul.f32 v34, v36;
	_ =	sdelay $0x1  }
0xef: {  	v35 =	vmul.f32 v34, v35;
	_ =	sdelay $0x1  }
0xf0: {  	v35 =	vmul.f32 v35, v34;
	_ =	sdelay $0x1  }
0xf1: {  	v35 =	vsub.f32 $1.500000000e+00, v35;
	_ =	sdelay $0x1  }
0xf2: {  	v34 =	vmul.f32 v35, v34  }
0xf3: {  	vm0 =	vgt.f32 v31, $1.000000000e+00  }
0xf4: {  	v31 =	vnsel vm0, $0x3F800000, v34  }
0xf5: {  	v12 =	vmul.f32 v31, v12  }
0xf6: {  	v14 =	vmul.f32 v31, v14  }
0xf7: {  	v18 =	vmul.f32 v31, v18;
	[tilespmem:v3+s14+$0x0] =	vst.idx.msk $0xffff, v12  }
0xf8: {  	v19 =	vmul.f32 v31, v19;
	[tilespmem:v2+s14+$0x0] =	vst.idx.msk $0xffff, v14  }
0xf9: {  	v3 =	vmul.f32 v31, v13;
	[tilespmem:v0+s14+$0x0] =	vst.idx.msk $0xffff, v18  }
0xfa: {  	[tilespmem:v63+s14+$0x0] =	vst.idx.msk $0xffff, v19  }
0xfb: {  	[tilespmem:v1+s14+$0x0] =	vst.idx.msk $0xffff, v3;
	v1 =	vld [tilespmem:$0x1FD20];
	_ =	sdelay $0x4  }
0xfc: {  	v12 =	vmul.f32 v31, v24  }
0xfd: {  	v2 =	vmul.f32 v31, v6  }
0xfe: {  	[tilespmem:v59+s14+$0x0] =	vst.idx.msk $0xffff, v12  }
0xff: {  	[tilespmem:v1+s14+$0x0] =	vst.idx.msk $0xffff, v2;
	v2 =	vld [tilespmem:$0x1FD30]  }
0x100: {  	v3 =	vld [tilespmem:$0x1FD40]  }
0x101: {  	v10 =	vmul.f32 v31, v10  }
0x102: {  	v4 =	vmul.f32 v31, v4;
	v13 =	vmul.f32 v31, v25  }
0x103: {  	v14 =	vmul.f32 v31, v16;
	v6 =	vmul.f32 v31, v29  }
0x104: {  	v16 =	vmul.f32 v31, v20;
	v0 =	vmul.f32 v31, v8  }
0x105: {  	v8 =	vmul.f32 v31, v23;
	v18 =	vmul.f32 v31, v15  }
0x106: {  	p0 =	sne.s32 s21, $0xF0;
	v15 =	vmul.f32 v31, v17;
	v63 =	vmul.f32 v31, v28  }
.Ltmp0:
0x107: {  	v19 =	vmul.f32 v31, v9;
	v9 =	vmul.f32 v31, v7;
	[tilespmem:v2+s14+$0x0] =	vst.idx.msk $0xffff, v10;
	(pc) =	sbr.rel @p0 .LBB2_3-.Ltmp0, $4  }
0x108: {  	v7 =	vmul.f32 v31, v26;
	v1 =	vmul.f32 v31, v21;
	[tilespmem:v3+s14+$0x0] =	vst.idx.msk $0xffff, v0  }
0x109: {  	v2 =	vmul.f32 v31, v30;
	v10 =	vmul.f32 v31, v11;
	[tilespmem:v5+s14+$0x0] =	vst.idx.msk $0xffff, v8  }
0x10a: {  	v55 =	vld [tilespmem:$0x1FE10];
	v3 =	vmul.f32 v31, v27;
	v0 =	vmul.f32 v31, v33;
	[tilespmem:v61+s14+$0x0] =	vst.idx.msk $0xffff, v18  }
0x10b: {  	s21 =	sadd.s32 $0x10, s21;
	v37 =	vlaneseq.u32;
	v54 =	vld [tilespmem:$0x1FE00];
	v5 =	vmul.f32 v31, v32;
	v8 =	vmul.f32 v31, v22;
	[tilespmem:v60+s14+$0x0] =	vst.idx.msk $0xffff, v63  }
0x10c: {  	v32 =	vld [tilespmem:$0x1FD60];
	_ =	sdelay $0x7  }
0x10d: {  	[tilespmem:v32+s14+$0x0] =	vst.idx.msk $0xffff, v19  }
0x10e: {  	[tilespmem:v42+s14+$0x0] =	vst.idx.msk $0xffff, v13  }
0x10f: {  	[tilespmem:v38+s14+$0x0] =	vst.idx.msk $0xffff, v14  }
0x110: {  	[tilespmem:v43+s14+$0x0] =	vst.idx.msk $0xffff, v6;
	v43 =	vld [tilespmem:$0x1FD50];
	_ =	sdelay $0x7  }
0x111: {  	[tilespmem:v43+s14+$0x0] =	vst.idx.msk $0xffff, v4  }
0x112: {  	[tilespmem:v41+s14+$0x0] =	vst.idx.msk $0xffff, v1  }
0x113: {  	[tilespmem:v56+s14+$0x0] =	vst.idx.msk $0xffff, v15  }
0x114: {  	[tilespmem:v48+s14+$0x0] =	vst.idx.msk $0xffff, v2;
	v48 =	vld [tilespmem:$0x1FD70];
	_ =	sdelay $0x4  }
0x115: {  	v30 =	vld [tilespmem:$0x1FFF0]  }
0x116: {  	v60 =	vld [tilespmem:$0x1FEA0]  }
0x117: {  	v59 =	vld [tilespmem:$0x1FF50]  }
0x118: {  	v63 =	vld [tilespmem:$0x1FEF0];
	[tilespmem:v48+s14+$0x0] =	vst.idx.msk $0xffff, v9  }
0x119: {  	v61 =	vld [tilespmem:$0x1FFE0];
	[tilespmem:v44+s14+$0x0] =	vst.idx.msk $0xffff, v7  }
0x11a: {  	v36 =	vld [tilespmem:$0x1FFD0];
	[tilespmem:v39+s14+$0x0] =	vst.idx.msk $0xffff, v16  }
0x11b: {  	[tilespmem:v50+s14+$0x0] =	vst.idx.msk $0xffff, v5;
	v50 =	vld [tilespmem:$0x1FD80]  }
0x11c: {  	v35 =	vld [tilespmem:$0x1FFC0]  }
0x11d: {  	v29 =	vld [tilespmem:$0x1FFA0]  }
0x11e: {  	v34 =	vld [tilespmem:$0x1FFB0]  }
0x11f: {  	v28 =	vld [tilespmem:$0x1FF90]  }
0x120: {  	v27 =	vld [tilespmem:$0x1FF80]  }
0x121: {  	v26 =	vld [tilespmem:$0x1FF20]  }
0x122: {  	v25 =	vld [tilespmem:$0x1FF70]  }
0x123: {  	v24 =	vld [tilespmem:$0x1FF10];
	[tilespmem:v50+s14+$0x0] =	vst.idx.msk $0xffff, v10  }
0x124: {  	v23 =	vld [tilespmem:$0x1FF30];
	p0 =	seq.s32 s20, $0x13;
	[tilespmem:v45+s14+$0x0] =	vst.idx.msk $0xffff, v3  }
0x125: {  	v22 =	vld [tilespmem:$0x1FF00];
	p1 =	seq.s32 @!p0 s20, $0x0;
	v56 =	vmul.f32 v31, v53;
	[tilespmem:v40+s14+$0x0] =	vst.idx.msk $0xffff, v8  }
0x126: {  	v21 =	vld [tilespmem:$0x1FEE0];
	v57 =	vmul.f32 v31, v57;
	p1 =	por p0, !p1;
	[tilespmem:v52+s14+$0x0] =	vst.idx.msk $0xffff, v0  }
.Ltmp1:
0x127: {  	v20 =	vld [tilespmem:$0x1FEC0];
	v58 =	vmul.f32 v31, v58;
	[tilespmem:v46+s14+$0x0] =	vst.idx.msk $0xffff, v56;
	(pc) =	sbr.rel @!p1 .LBB2_5-.Ltmp1, $4  }
0x128: {  	v18 =	vld [tilespmem:$0x1FF60];
	v62 =	vmul.f32 v31, v62;
	s21 =	sshll.u32 s20, $0xB;
	[tilespmem:v49+s14+$0x0] =	vst.idx.msk $0xffff, v57  }
0x129: {  	v17 =	vld [tilespmem:$0x1FEB0];
	s22 =	sshra.s32 @!p0 s21, $0x2;
	[tilespmem:v51+s14+$0x0] =	vst.idx.msk $0xffff, v58  }
0x12a: {  	v12 =	vld [tilespmem:$0x1FF40];
	s24 =	simm.s32 @!p0 $0x100;
	s25 =	simm.s32 @!p0 $0x2800;
	s23 =	sadd.s32 @!p0 $0x200, s22;
	[tilespmem:v47+s14+$0x0] =	vst.idx.msk $0xffff, v62  }
0x12b: {  	v11 =	vld [tilespmem:$0x1FED0];
	[tilespmem:s25], [sflag:$0x1] =	stream.indirect.gather @!p0 [hbm4b:s4+s24], $0x20, s23, s24, $0xb8  }
.Ltmp2:
0x12c: {  	(pc) =	sbr.rel .LBB2_7-.Ltmp2, $4  }
0x12d: {  	_ = 	snop  }
0x12e: {  	_ =	swait.ge [sflag:s17], $0x2000  }
0x12f: {  	v3 =	vmov v24;
	[sflag:s17] =	ssyncset.done $0x0  }
0x130: {  	p1 =	por $0x0, $0x0;
	v1 =	vmovc v25;
	v2 =	vmovc v27;
	v48 =	vmov v36;
	v50 =	vmov v61;
	v57 =	vmov v30;
	[sflag:s17] =	ssyncadd.s32 $0xFFFFE000  }
.LBB2_5:
0x131: {  	v3 =	vmov v24  }
0x132: {  	p1 =	por @!p0 $0x1, $0x1;
	v1 =	vmovc v25;
	v2 =	vmovc v27;
	v48 =	vmov v36;
	v50 =	vmov v61;
	v57 =	vmov v30  }
.LBB2_7:
0x133: {  	s23 =	simm.s32 $0x0;
	s24 =	sshll.u32 s20, $0xE  }
0x134: {  	v0 =	vmov s23;
	s24 =	sadd.s32 s6, s24  }
0x135: {  	v0 =	vshll.u32 v0, $0x5;
	s24 =	sshrl.u32 s24, $0x3  }
0x136: {  	v24 =	vor.u32 v54, v0;
	s24 =	sadd.s32 s2, s24  }
0x137: {  	[hbm4b:s24+s23] =	stream.linear.scatter [tilespmem:s14], [sflag:$0x3], $0x2000, $0x38;
	v8 =	vor.u32 v55, v24;
	v7 =	vor.u32 v21, v24;
	[tilespmem:$0xA800] =	vst v63  }
0x138: {  	v0 =	vor.u32 v60, v24;
	[tilespmem:$0x1FCB0] =	vst v8  }
0x139: {  	_ =	swait.ge [sflag:s15], $0x2000  }
0x13a: {  	[sflag:s15] =	ssyncset.done $0x0  }
0x13b: {  	[sflag:s15] =	ssyncadd.s32 $0xFFFFE000  }
0x13c: {  	v9 =	vor.u32 v17, v24;
	v17 =	vld.idx.msk [tilespmem:v7+s12+$0x0], $0xffff  }
0x13d: {  	[tilespmem:$0x1FCE0] =	vst v7;
	v7 =	vld.idx.msk [tilespmem:v0+s12+$0x0], $0xffff  }
0x13e: {  	[tilespmem:$0x1FC70] =	vst v0;
	v0 =	vld [tilespmem:$0x1FE90];
	_ =	sdelay $0x3  }
0x13f: {  	v6 =	vor.u32 v37, v24  }
0x140: {  	v56 =	vor.u32 v0, v24;
	v0 =	vld [tilespmem:$0x1FE50];
	_ =	sdelay $0x1  }
0x141: {  	v4 =	vor.u32 v20, v24  }
0x142: {  	v13 =	vor.u32 v11, v24  }
0x143: {  	v19 =	vld.idx.msk [tilespmem:v6+s12+$0x0], $0xffff  }
0x144: {  	v39 =	vor.u32 v0, v24;
	v0 =	vld [tilespmem:$0x1FE30]  }
0x145: {  	v5 =	vor.u32 v22, v24;
	v20 =	vld.idx.msk [tilespmem:v8+s12+$0x0], $0xffff  }
0x146: {  	v38 =	vor.u32 v28, v24;
	v14 =	vld.idx.msk [tilespmem:v4+s12+$0x0], $0xffff  }
0x147: {  	v8 =	vor.u32 v26, v24;
	v25 =	vld.idx.msk [tilespmem:v13+s12+$0x0], $0xffff  }
0x148: {  	v18 =	vor.u32 v18, v24;
	v21 =	vld.idx.msk [tilespmem:v9+s12+$0x0], $0xffff  }
0x149: {  	v44 =	vor.u32 v0, v24;
	v0 =	vld [tilespmem:$0x1FE20]  }
0x14a: {  	v41 =	vor.u32 v29, v24;
	v16 =	vld.idx.msk [tilespmem:v5+s12+$0x0], $0xffff  }
0x14b: {  	v42 =	vor.u32 v2, v24;
	v40 =	vor.u32 v59, v24;
	v22 =	vld.idx.msk [tilespmem:v38+s12+$0x0], $0xffff  }
0x14c: {  	v43 =	vor.u32 v34, v24;
	v15 =	vld.idx.msk [tilespmem:v8+s12+$0x0], $0xffff;
	v32 =	vmul.f32 v14, v14;
	v45 =	vmul.f32 v25, v25  }
0x14d: {  	[tilespmem:$0x1FCD0] =	vst v4;
	v30 =	vld.idx.msk [tilespmem:v18+s12+$0x0], $0xffff;
	v28 =	vmul.f32 v19, v19;
	v29 =	vmul.f32 v21, v21  }
0x14e: {  	[tilespmem:$0x1FCC0] =	vst v9;
	v32 =	vadd.f32 v32, v45;
	v45 =	vor.u32 v0, v24;
	v0 =	vld [tilespmem:$0x1FE60]  }
0x14f: {  	v4 =	vor.u32 v12, v24;
	v34 =	vld.idx.msk [tilespmem:v41+s12+$0x0], $0xffff;
	v31 =	vmul.f32 v16, v16;
	v28 =	vadd.f32 v29, v28  }
0x150: {  	[tilespmem:$0x1FCF0] =	vst v5;
	v9 =	vor.u32 v3, v24;
	v36 =	vld.idx.msk [tilespmem:v42+s12+$0x0], $0xffff  }
0x151: {  	v5 =	vor.u32 v35, v24;
	v60 =	vld.idx.msk [tilespmem:v40+s12+$0x0], $0xffff;
	v28 =	vadd.f32 v31, v28;
	v46 =	vmul.f32 v15, v15  }
0x152: {  	v3 =	vor.u32 v63, v24;
	v61 =	vld.idx.msk [tilespmem:v43+s12+$0x0], $0xffff  }
0x153: {  	v28 =	vadd.f32 v46, v28;
	v46 =	vor.u32 v0, v24;
	v0 =	vld [tilespmem:$0x1FE40]  }
0x154: {  	v12 =	vor.u32 v1, v24;
	v26 =	vld.idx.msk [tilespmem:v4+s12+$0x0], $0xffff  }
0x155: {  	v48 =	vor.u32 v48, v24;
	v27 =	vld.idx.msk [tilespmem:v9+s12+$0x0], $0xffff  }
0x156: {  	[tilespmem:$0x1FD10] =	vst v9;
	v9 =	vld.idx.msk [tilespmem:v5+s12+$0x0], $0xffff  }
0x157: {  	[tilespmem:$0x1FC80] =	vst v8;
	v8 =	vor.u32 v23, v24;
	v10 =	vld.idx.msk [tilespmem:v3+s12+$0x0], $0xffff  }
0x158: {  	v51 =	vor.u32 v0, v24;
	v0 =	vld [tilespmem:$0x1FE70]  }
0x159: {  	v50 =	vor.u32 v50, v24;
	v59 =	vld.idx.msk [tilespmem:v12+s12+$0x0], $0xffff  }
0x15a: {  	[tilespmem:$0x1FC90] =	vst v5;
	v5 =	vld.idx.msk [tilespmem:v48+s12+$0x0], $0xffff  }
0x15b: {  	v23 =	vld.idx.msk [tilespmem:v56+s12+$0x0], $0xffff;
	v49 =	vmul.f32 v27, v27  }
0x15c: {  	v58 =	vmul.f32 v22, v22;
	v33 =	vld.idx.msk [tilespmem:v8+s12+$0x0], $0xffff  }
0x15d: {  	v31 =	vmul.f32 v7, v7;
	v32 =	vadd.f32 v49, v32;
	v49 =	vor.u32 v0, v24;
	v0 =	vld [tilespmem:$0x1FE80]  }
0x15e: {  	[tilespmem:$0x1FCA0] =	vst v3;
	v3 =	vld.idx.msk [tilespmem:v50+s12+$0x0], $0xffff;
	v29 =	vmul.f32 v17, v17;
	v47 =	vmul.f32 v26, v26  }
0x15f: {  	v52 =	vmul.f32 v20, v20;
	v28 =	vadd.f32 v31, v28;
	v31 =	vmul.f32 v30, v30;
	v35 =	vld.idx.msk [tilespmem:v39+s12+$0x0], $0xffff  }
0x160: {  	[tilespmem:$0x1FD00] =	vst v8;
	v29 =	vadd.f32 v29, v47;
	v47 =	vor.u32 v57, v24;
	v32 =	vadd.f32 v58, v32  }
0x161: {  	v58 =	vmul.f32 v23, v23;
	v53 =	vmul.f32 v33, v33;
	v31 =	vadd.f32 v31, v52;
	v63 =	vld.idx.msk [tilespmem:v44+s12+$0x0], $0xffff  }
0x162: {  	v62 =	vmul.f32 v59, v59;
	v57 =	vmul.f32 v9, v9;
	v8 =	vld.idx.msk [tilespmem:v45+s12+$0x0], $0xffff;
	v52 =	vor.u32 v0, v24  }
0x163: {  	v32 =	vadd.f32 v58, v32;
	v58 =	vmul.f32 v36, v36;
	v31 =	vadd.f32 v53, v31;
	v53 =	vld.idx.msk [tilespmem:v46+s12+$0x0], $0xffff  }
0x164: {  	v11 =	vld.idx.msk [tilespmem:v51+s12+$0x0], $0xffff;
	v24 =	vadd.f32 v62, v29;
	v29 =	vmul.f32 v35, v35;
	v62 =	vmul.f32 v61, v61  }
0x165: {  	v28 =	vadd.f32 v57, v28;
	v31 =	vadd.f32 v58, v31;
	v0 =	vmul.f32 v34, v34;
	v57 =	vld.idx.msk [tilespmem:v49+s12+$0x0], $0xffff  }
0x166: {  	v29 =	vadd.f32 v29, v32;
	v24 =	vadd.f32 v62, v24;
	v32 =	vmul.f32 v5, v5;
	v62 =	vld.idx.msk [tilespmem:v47+s12+$0x0], $0xffff  }
0x167: {  	v1 =	vmul.f32 v63, v63;
	v2 =	vadd.f32 v0, v31;
	v31 =	vmul.f32 v10, v10;
	v58 =	vld.idx.msk [tilespmem:v52+s12+$0x0], $0xffff  }
0x168: {  	v0 =	vmul.f32 v3, v3;
	v24 =	vadd.f32 v32, v24;
	v32 =	vmul.f32 v60, v60  }
0x169: {  	v28 =	vadd.f32 v31, v28;
	v1 =	vadd.f32 v1, v2;
	v2 =	vmul.f32 v8, v8  }
0x16a: {  	v31 =	vmul.f32 v57, v57;
	v0 =	vadd.f32 v0, v24;
	v24 =	vmul.f32 v11, v11  }
0x16b: {  	v29 =	vadd.f32 v32, v29;
	v1 =	vadd.f32 v2, v1;
	v2 =	vmul.f32 v53, v53  }
0x16c: {  	v32 =	vmul.f32 v62, v62;
	v0 =	vadd.f32 v24, v0;
	v24 =	vmul.f32 v58, v58  }
0x16d: {  	v2 =	vadd.f32 v2, v28;
	v1 =	vadd.f32 v31, v1  }
0x16e: {  	v0 =	vadd.f32 v32, v0;
	v24 =	vadd.f32 v24, v29;
	_ =	sdelay $0x1  }
0x16f: {  	v1 =	vadd.f32 v1, v2;
	v0 =	vadd.f32 v0, v24;
	_ =	sdelay $0x1  }
0x170: {  	v0 =	vadd.f32 v0, v1;
	_ =	sdelay $0x1  }
0x171: {  	v1 =	vshra.s32 v0, $0x1;
	v2 =	vmul.f32 $5.000000000e-01, v0  }
0x172: {  	v1 =	vsub.s32 $0x5F3759DF, v1  }
0x173: {  	v32 =	vmul.f32 v1, v2;
	_ =	sdelay $0x1  }
0x174: {  	v24 =	vmul.f32 v1, v32;
	_ =	sdelay $0x1  }
0x175: {  	v24 =	vsub.f32 $1.500000000e+00, v24;
	_ =	sdelay $0x1  }
0x176: {  	v1 =	vmul.f32 v1, v24;
	_ =	sdelay $0x1  }
0x177: {  	v2 =	vmul.f32 v1, v2;
	_ =	sdelay $0x1  }
0x178: {  	v2 =	vmul.f32 v2, v1;
	_ =	sdelay $0x1  }
0x179: {  	v2 =	vsub.f32 $1.500000000e+00, v2;
	_ =	sdelay $0x1  }
0x17a: {  	v1 =	vmul.f32 v2, v1  }
0x17b: {  	vm0 =	vgt.f32 v0, $1.000000000e+00  }
0x17c: {  	v31 =	vnsel vm0, $0x3F800000, v1  }
0x17d: {  	v1 =	vmul.f32 v31, v20;
	v20 =	vld [tilespmem:$0x1FCB0];
	_ =	sdelay $0x4  }
0x17e: {  	v0 =	vmul.f32 v31, v19;
	_ =	sdelay $0x1  }
0x17f: {  	v2 =	vmul.f32 v31, v25;
	[tilespmem:v6+s16+$0x0] =	vst.idx.msk $0xffff, v0  }
0x180: {  	[tilespmem:v20+s16+$0x0] =	vst.idx.msk $0xffff, v1  }
0x181: {  	[tilespmem:v13+s16+$0x0] =	vst.idx.msk $0xffff, v2;
	v2 =	vld [tilespmem:$0x1FCC0];
	_ =	sdelay $0x4  }
0x182: {  	v19 =	vmul.f32 v31, v26  }
0x183: {  	v0 =	vmul.f32 v31, v21  }
0x184: {  	[tilespmem:v4+s16+$0x0] =	vst.idx.msk $0xffff, v19  }
0x185: {  	[tilespmem:v2+s16+$0x0] =	vst.idx.msk $0xffff, v0;
	v0 =	vld [tilespmem:$0x1FCD0];
	_ =	sdelay $0x4  }
0x186: {  	v6 =	vmul.f32 v31, v30  }
0x187: {  	v1 =	vmul.f32 v31, v14  }
0x188: {  	[tilespmem:v18+s16+$0x0] =	vst.idx.msk $0xffff, v6  }
0x189: {  	[tilespmem:v0+s16+$0x0] =	vst.idx.msk $0xffff, v1;
	v0 =	vld [tilespmem:$0x1FCE0];
	_ =	sdelay $0x5  }
0x18a: {  	v17 =	vmul.f32 v31, v17;
	_ =	sdelay $0x1  }
0x18b: {  	[tilespmem:v0+s16+$0x0] =	vst.idx.msk $0xffff, v17;
	v0 =	vld [tilespmem:$0x1FCF0];
	_ =	sdelay $0x5  }
0x18c: {  	v16 =	vmul.f32 v31, v16;
	_ =	sdelay $0x1  }
0x18d: {  	[tilespmem:v0+s16+$0x0] =	vst.idx.msk $0xffff, v16;
	v0 =	vld [tilespmem:$0x1FD00];
	_ =	sdelay $0x5  }
0x18e: {  	v20 =	vmul.f32 v31, v33;
	_ =	sdelay $0x1  }
0x18f: {  	[tilespmem:v0+s16+$0x0] =	vst.idx.msk $0xffff, v20;
	v0 =	vld [tilespmem:$0x1FD10]  }
0x190: {  	v59 =	vmul.f32 v31, v59;
	v9 =	vmul.f32 v31, v9  }
0x191: {  	v10 =	vmul.f32 v31, v10;
	v33 =	vmul.f32 v31, v27  }
0x192: {  	v14 =	vmul.f32 v31, v22;
	v13 =	vmul.f32 v31, v36  }
0x193: {  	v19 =	vmul.f32 v31, v15;
	v4 =	vmul.f32 v31, v7  }
0x194: {  	v15 =	vmul.f32 v31, v23;
	v7 =	vmul.f32 v31, v63  }
0x195: {  	v2 =	vmul.f32 v31, v5;
	v5 =	vmul.f32 v31, v3  }
0x196: {  	v3 =	vmul.f32 v31, v8;
	v8 =	vmul.f32 v31, v60  }
0x197: {  	v6 =	vmul.f32 v31, v61;
	v1 =	vmul.f32 v31, v34;
	[tilespmem:v0+s16+$0x0] =	vst.idx.msk $0xffff, v33  }
0x198: {  	s23 =	simm.s32 $0x10;
	v16 =	vmul.f32 v31, v35;
	v0 =	vmul.f32 v31, v11;
	[tilespmem:v12+s16+$0x0] =	vst.idx.msk $0xffff, v59  }
.LBB2_8:
0x199: {  	v11 =	vld [tilespmem:$0x1FC80];
	_ =	sdelay $0x7  }
0x19a: {  	[tilespmem:v11+s16+$0x0] =	vst.idx.msk $0xffff, v19  }
0x19b: {  	[tilespmem:v42+s16+$0x0] =	vst.idx.msk $0xffff, v13  }
0x19c: {  	[tilespmem:v38+s16+$0x0] =	vst.idx.msk $0xffff, v14  }
0x19d: {  	[tilespmem:v43+s16+$0x0] =	vst.idx.msk $0xffff, v6;
	v6 =	vld [tilespmem:$0x1FC70];
	_ =	sdelay $0x7  }
0x19e: {  	[tilespmem:v6+s16+$0x0] =	vst.idx.msk $0xffff, v4  }
0x19f: {  	[tilespmem:v41+s16+$0x0] =	vst.idx.msk $0xffff, v1;
	v1 =	vld [tilespmem:$0x1FC90];
	_ =	sdelay $0x2  }
0x1a0: {  	[tilespmem:v56+s16+$0x0] =	vst.idx.msk $0xffff, v15  }
0x1a1: {  	[tilespmem:v48+s16+$0x0] =	vst.idx.msk $0xffff, v2;
	v2 =	vld [tilespmem:$0x1FCA0];
	_ =	sdelay $0x3  }
0x1a2: {  	[tilespmem:v1+s16+$0x0] =	vst.idx.msk $0xffff, v9  }
0x1a3: {  	v4 =	vld [tilespmem:$0x1FEE0];
	[tilespmem:v44+s16+$0x0] =	vst.idx.msk $0xffff, v7  }
0x1a4: {  	s24 =	smov.u32 s23;
	[tilespmem:v39+s16+$0x0] =	vst.idx.msk $0xffff, v16  }
0x1a5: {  	v12 =	vmul.f32 v31, v57;
	v1 =	vmov s24;
	[tilespmem:v50+s16+$0x0] =	vst.idx.msk $0xffff, v5  }
0x1a6: {  	v17 =	vmul.f32 v31, v62;
	v11 =	vmul.f32 v31, v53;
	v1 =	vshll.u32 v1, $0x5;
	[tilespmem:v2+s16+$0x0] =	vst.idx.msk $0xffff, v10  }
0x1a7: {  	v13 =	vmul.f32 v31, v58;
	v31 =	vor.u32 v54, v1;
	[tilespmem:v45+s16+$0x0] =	vst.idx.msk $0xffff, v3  }
0x1a8: {  	[tilespmem:v40+s16+$0x0] =	vst.idx.msk $0xffff, v8;
	v8 =	vor.u32 v4, v31;
	v4 =	vld [tilespmem:$0x1FF00];
	_ =	sdelay $0x4  }
0x1a9: {  	v5 =	vor.u32 v4, v31;
	v4 =	vld [tilespmem:$0x1FF20];
	_ =	sdelay $0x3  }
0x1aa: {  	v1 =	vld [tilespmem:$0x1FF40]  }
0x1ab: {  	v9 =	vor.u32 v4, v31;
	v4 =	vld [tilespmem:$0x1FEA0]  }
0x1ac: {  	v28 =	vld [tilespmem:$0x1FFB0]  }
0x1ad: {  	v36 =	vld [tilespmem:$0x1FFD0]  }
0x1ae: {  	v57 =	vld [tilespmem:$0x1FE20]  }
0x1af: {  	v63 =	vor.u32 v1, v31;
	v1 =	vld [tilespmem:$0x1FF60]  }
0x1b0: {  	v7 =	vor.u32 v4, v31;
	v4 =	vld [tilespmem:$0x1FF10]  }
0x1b1: {  	v35 =	vld [tilespmem:$0x1FFE0]  }
0x1b2: {  	v43 =	vor.u32 v28, v31;
	v28 =	vld [tilespmem:$0x1FF50]  }
0x1b3: {  	v48 =	vor.u32 v36, v31;
	v36 =	vld [tilespmem:$0x1FE60]  }
0x1b4: {  	v59 =	vor.u32 v1, v31;
	v1 =	vld [tilespmem:$0x1FEC0]  }
0x1b5: {  	[tilespmem:v51+s16+$0x0] =	vst.idx.msk $0xffff, v0;
	v61 =	vor.u32 v4, v31;
	v4 =	vld [tilespmem:$0x1FF70]  }
0x1b6: {  	v50 =	vor.u32 v35, v31;
	v35 =	vld [tilespmem:$0x1FE70];
	[tilespmem:v46+s16+$0x0] =	vst.idx.msk $0xffff, v11  }
0x1b7: {  	v0 =	vld [tilespmem:$0x1FED0];
	[tilespmem:v49+s16+$0x0] =	vst.idx.msk $0xffff, v12  }
0x1b8: {  	v11 =	vld [tilespmem:$0x1FE90];
	[tilespmem:v52+s16+$0x0] =	vst.idx.msk $0xffff, v13  }
0x1b9: {  	[tilespmem:v47+s16+$0x0] =	vst.idx.msk $0xffff, v17;
	v6 =	vor.u32 v1, v31;
	v1 =	vld [tilespmem:$0x1FEB0]  }
0x1ba: {  	v60 =	vor.u32 v4, v31;
	v4 =	vld.idx.msk [tilespmem:v7+s12+$0x0], $0xffff  }
0x1bb: {  	[tilespmem:$0x1FC70] =	vst v7;
	v7 =	vld [tilespmem:$0x1FFC0]  }
0x1bc: {  	v46 =	vor.u32 v36, v31;
	v36 =	vld [tilespmem:$0x1FFF0]  }
0x1bd: {  	v3 =	vor.u32 v37, v31;
	v49 =	vor.u32 v35, v31;
	v35 =	vld [tilespmem:$0x1FE80]  }
0x1be: {  	v10 =	vld.idx.msk [tilespmem:v8+s12+$0x0], $0xffff  }
0x1bf: {  	v19 =	vld.idx.msk [tilespmem:v63+s12+$0x0], $0xffff;
	v1 =	vor.u32 v1, v31  }
0x1c0: {  	v16 =	vor.u32 v7, v31;
	v7 =	vld [tilespmem:$0x1FF90]  }
0x1c1: {  	v56 =	vor.u32 v11, v31;
	v11 =	vld [tilespmem:$0x1FE50]  }
0x1c2: {  	v0 =	vor.u32 v0, v31;
	v12 =	vld.idx.msk [tilespmem:v3+s12+$0x0], $0xffff  }
0x1c3: {  	[tilespmem:$0x1FC50] =	vst v8;
	v8 =	vld.idx.msk [tilespmem:v5+s12+$0x0], $0xffff  }
0x1c4: {  	v13 =	vld.idx.msk [tilespmem:v1+s12+$0x0], $0xffff  }
0x1c5: {  	v38 =	vor.u32 v7, v31;
	v7 =	vld [tilespmem:$0x1FEF0]  }
0x1c6: {  	v20 =	vmul.f32 v10, v10;
	v27 =	vmul.f32 v19, v19;
	v39 =	vor.u32 v11, v31;
	v11 =	vld [tilespmem:$0x1FFA0]  }
0x1c7: {  	v18 =	vld.idx.msk [tilespmem:v0+s12+$0x0], $0xffff  }
0x1c8: {  	[tilespmem:$0x1FC60] =	vst v5;
	v33 =	vadd.f32 v20, v27;
	v20 =	vld [tilespmem:$0x1FE30]  }
0x1c9: {  	v2 =	vor.u32 v55, v31;
	v5 =	vmul.f32 v12, v12;
	[tilespmem:$0x1FC80] =	vst v9;
	v9 =	vld.idx.msk [tilespmem:v9+s12+$0x0], $0xffff  }
0x1ca: {  	[tilespmem:$0x1FC40] =	vst v6;
	v6 =	vld.idx.msk [tilespmem:v6+s12+$0x0], $0xffff;
	v23 =	vor.u32 v7, v31;
	v7 =	vmul.f32 v13, v13  }
0x1cb: {  	v41 =	vor.u32 v11, v31;
	v11 =	vld [tilespmem:$0x1FF80]  }
0x1cc: {  	v17 =	vadd.f32 v7, v5;
	v5 =	vld [tilespmem:$0x1FF30]  }
0x1cd: {  	v21 =	vmul.f32 v8, v8;
	v15 =	vld.idx.msk [tilespmem:v61+s12+$0x0], $0xffff  }
0x1ce: {  	v7 =	vld.idx.msk [tilespmem:v16+s12+$0x0], $0xffff  }
0x1cf: {  	v40 =	vor.u32 v28, v31;
	v14 =	vld.idx.msk [tilespmem:v2+s12+$0x0], $0xffff;
	v25 =	vmul.f32 v9, v9;
	v21 =	vadd.f32 v21, v17  }
0x1d0: {  	v58 =	vmul.f32 v18, v18;
	v22 =	vmul.f32 v6, v6;
	v42 =	vor.u32 v11, v31;
	v11 =	vld.idx.msk [tilespmem:v23+s12+$0x0], $0xffff  }
0x1d1: {  	v24 =	vld.idx.msk [tilespmem:v59+s12+$0x0], $0xffff;
	v26 =	vmul.f32 v4, v4;
	v62 =	vadd.f32 v25, v21;
	v5 =	vor.u32 v5, v31  }
0x1d2: {  	v44 =	vor.u32 v20, v31;
	v22 =	vadd.f32 v22, v58;
	[tilespmem:$0x1FC90] =	vst v16;
	v16 =	vld.idx.msk [tilespmem:v38+s12+$0x0], $0xffff  }
0x1d3: {  	v20 =	vld.idx.msk [tilespmem:v39+s12+$0x0], $0xffff;
	v28 =	vmul.f32 v15, v15;
	v29 =	vmul.f32 v7, v7;
	v26 =	vadd.f32 v26, v62  }
0x1d4: {  	v17 =	vld.idx.msk [tilespmem:v56+s12+$0x0], $0xffff  }
0x1d5: {  	v22 =	vadd.f32 v28, v22;
	v28 =	vld.idx.msk [tilespmem:v60+s12+$0x0], $0xffff;
	v27 =	vmul.f32 v11, v11;
	v62 =	vadd.f32 v29, v26  }
0x1d6: {  	[tilespmem:$0x1FCA0] =	vst v23;
	v23 =	vld.idx.msk [tilespmem:v5+s12+$0x0], $0xffff  }
0x1d7: {  	v32 =	vmul.f32 v16, v16;
	v34 =	vadd.f32 v27, v62;
	v62 =	vld [tilespmem:$0x1FE40]  }
0x1d8: {  	v45 =	vor.u32 v57, v31;
	v30 =	vmul.f32 v14, v14;
	v25 =	vld.idx.msk [tilespmem:v42+s12+$0x0], $0xffff  }
0x1d9: {  	v58 =	vmul.f32 v24, v24;
	v32 =	vadd.f32 v32, v22;
	v37 =	vmul.f32 v17, v17;
	v22 =	vld.idx.msk [tilespmem:v40+s12+$0x0], $0xffff  }
0x1da: {  	v29 =	vld.idx.msk [tilespmem:v43+s12+$0x0], $0xffff  }
0x1db: {  	v21 =	vld.idx.msk [tilespmem:v41+s12+$0x0], $0xffff;
	v32 =	vadd.f32 v37, v32;
	v37 =	vadd.f32 v58, v30;
	v52 =	vmul.f32 v23, v23  }
0x1dc: {  	v26 =	vld.idx.msk [tilespmem:v44+s12+$0x0], $0xffff;
	v51 =	vor.u32 v62, v31  }
0x1dd: {  	v47 =	vor.u32 v36, v31;
	v57 =	vmul.f32 v20, v20;
	v30 =	vld.idx.msk [tilespmem:v48+s12+$0x0], $0xffff;
	v53 =	vadd.f32 v52, v37  }
0x1de: {  	v27 =	vld.idx.msk [tilespmem:v45+s12+$0x0], $0xffff;
	v37 =	vmul.f32 v25, v25;
	v52 =	vor.u32 v35, v31;
	v31 =	vmul.f32 v28, v28  }
0x1df: {  	v57 =	vadd.f32 v57, v32;
	v32 =	vld.idx.msk [tilespmem:v50+s12+$0x0], $0xffff;
	v36 =	vmul.f32 v29, v29;
	v35 =	vmul.f32 v22, v22  }
0x1e0: {  	v62 =	vmul.f32 v21, v21;
	v58 =	vadd.f32 v37, v53;
	v53 =	vld.idx.msk [tilespmem:v46+s12+$0x0], $0xffff;
	v31 =	vadd.f32 v31, v33  }
0x1e1: {  	v54 =	vmul.f32 v26, v26;
	v35 =	vadd.f32 v35, v57;
	v33 =	vld.idx.msk [tilespmem:v51+s12+$0x0], $0xffff  }
0x1e2: {  	v57 =	vld.idx.msk [tilespmem:v49+s12+$0x0], $0xffff;
	v62 =	vadd.f32 v62, v58;
	v31 =	vadd.f32 v36, v31;
	v36 =	vmul.f32 v30, v30  }
0x1e3: {  	v58 =	vld.idx.msk [tilespmem:v52+s12+$0x0], $0xffff  }
0x1e4: {  	v55 =	vmul.f32 v32, v32;
	v37 =	vadd.f32 v54, v62;
	v62 =	vld.idx.msk [tilespmem:v47+s12+$0x0], $0xffff;
	v31 =	vadd.f32 v36, v31  }
0x1e5: {  	v54 =	vmul.f32 v27, v27  }
0x1e6: {  	v31 =	vadd.f32 v55, v31;
	v36 =	vmul.f32 v33, v33  }
0x1e7: {  	v37 =	vadd.f32 v54, v37;
	v54 =	vmul.f32 v53, v53  }
0x1e8: {  	v55 =	vmul.f32 v57, v57;
	v31 =	vadd.f32 v36, v31  }
0x1e9: {  	v34 =	vadd.f32 v54, v34;
	v36 =	vmul.f32 v58, v58;
	v54 =	vmul.f32 v62, v62  }
0x1ea: {  	v37 =	vadd.f32 v55, v37  }
0x1eb: {  	v35 =	vadd.f32 v36, v35;
	v31 =	vadd.f32 v54, v31;
	_ =	sdelay $0x1  }
0x1ec: {  	v34 =	vadd.f32 v37, v34;
	v31 =	vadd.f32 v31, v35;
	_ =	sdelay $0x1  }
0x1ed: {  	v31 =	vadd.f32 v31, v34;
	_ =	sdelay $0x1  }
0x1ee: {  	v34 =	vshra.s32 v31, $0x1;
	v35 =	vmul.f32 $5.000000000e-01, v31  }
0x1ef: {  	v34 =	vsub.s32 $0x5F3759DF, v34  }
0x1f0: {  	v36 =	vmul.f32 v34, v35;
	_ =	sdelay $0x1  }
0x1f1: {  	v36 =	vmul.f32 v34, v36;
	_ =	sdelay $0x1  }
0x1f2: {  	v36 =	vsub.f32 $1.500000000e+00, v36;
	_ =	sdelay $0x1  }
0x1f3: {  	v34 =	vmul.f32 v34, v36;
	_ =	sdelay $0x1  }
0x1f4: {  	v35 =	vmul.f32 v34, v35;
	_ =	sdelay $0x1  }
0x1f5: {  	v35 =	vmul.f32 v35, v34;
	_ =	sdelay $0x1  }
0x1f6: {  	v35 =	vsub.f32 $1.500000000e+00, v35;
	_ =	sdelay $0x1  }
0x1f7: {  	v34 =	vmul.f32 v35, v34  }
0x1f8: {  	vm0 =	vgt.f32 v31, $1.000000000e+00  }
0x1f9: {  	v31 =	vnsel vm0, $0x3F800000, v34  }
0x1fa: {  	v12 =	vmul.f32 v31, v12  }
0x1fb: {  	v14 =	vmul.f32 v31, v14  }
0x1fc: {  	v18 =	vmul.f32 v31, v18;
	[tilespmem:v3+s16+$0x0] =	vst.idx.msk $0xffff, v12  }
0x1fd: {  	v19 =	vmul.f32 v31, v19;
	[tilespmem:v2+s16+$0x0] =	vst.idx.msk $0xffff, v14  }
0x1fe: {  	v3 =	vmul.f32 v31, v13;
	[tilespmem:v0+s16+$0x0] =	vst.idx.msk $0xffff, v18  }
0x1ff: {  	[tilespmem:v63+s16+$0x0] =	vst.idx.msk $0xffff, v19  }
0x200: {  	[tilespmem:v1+s16+$0x0] =	vst.idx.msk $0xffff, v3;
	v1 =	vld [tilespmem:$0x1FC40];
	_ =	sdelay $0x4  }
0x201: {  	v12 =	vmul.f32 v31, v24  }
0x202: {  	v2 =	vmul.f32 v31, v6  }
0x203: {  	[tilespmem:v59+s16+$0x0] =	vst.idx.msk $0xffff, v12  }
0x204: {  	[tilespmem:v1+s16+$0x0] =	vst.idx.msk $0xffff, v2;
	v2 =	vld [tilespmem:$0x1FC50]  }
0x205: {  	v3 =	vld [tilespmem:$0x1FC60]  }
0x206: {  	v10 =	vmul.f32 v31, v10  }
0x207: {  	v4 =	vmul.f32 v31, v4;
	v13 =	vmul.f32 v31, v25  }
0x208: {  	v14 =	vmul.f32 v31, v16;
	v6 =	vmul.f32 v31, v29  }
0x209: {  	v16 =	vmul.f32 v31, v20;
	v0 =	vmul.f32 v31, v8  }
0x20a: {  	v8 =	vmul.f32 v31, v23;
	v18 =	vmul.f32 v31, v15  }
0x20b: {  	p2 =	sne.s32 s23, $0xF0;
	v15 =	vmul.f32 v31, v17;
	v63 =	vmul.f32 v31, v28  }
.Ltmp3:
0x20c: {  	v19 =	vmul.f32 v31, v9;
	v9 =	vmul.f32 v31, v7;
	[tilespmem:v2+s16+$0x0] =	vst.idx.msk $0xffff, v10;
	(pc) =	sbr.rel @p2 .LBB2_8-.Ltmp3, $4  }
0x20d: {  	v7 =	vmul.f32 v31, v26;
	v1 =	vmul.f32 v31, v21;
	[tilespmem:v3+s16+$0x0] =	vst.idx.msk $0xffff, v0  }
0x20e: {  	v2 =	vmul.f32 v31, v30;
	v10 =	vmul.f32 v31, v11;
	[tilespmem:v5+s16+$0x0] =	vst.idx.msk $0xffff, v8  }
0x20f: {  	v55 =	vld [tilespmem:$0x1FE10];
	v3 =	vmul.f32 v31, v27;
	v0 =	vmul.f32 v31, v33;
	[tilespmem:v61+s16+$0x0] =	vst.idx.msk $0xffff, v18  }
0x210: {  	s23 =	sadd.s32 $0x10, s23;
	v37 =	vlaneseq.u32;
	v54 =	vld [tilespmem:$0x1FE00];
	v5 =	vmul.f32 v31, v32;
	v8 =	vmul.f32 v31, v22;
	[tilespmem:v60+s16+$0x0] =	vst.idx.msk $0xffff, v63  }
0x211: {  	v11 =	vld [tilespmem:$0x1FC80];
	_ =	sdelay $0x3  }
0x212: {  	v63 =	vld [tilespmem:$0x1FC70];
	_ =	sdelay $0x3  }
0x213: {  	[tilespmem:v11+s16+$0x0] =	vst.idx.msk $0xffff, v19  }
0x214: {  	[tilespmem:v42+s16+$0x0] =	vst.idx.msk $0xffff, v13  }
0x215: {  	[tilespmem:v38+s16+$0x0] =	vst.idx.msk $0xffff, v14  }
0x216: {  	[tilespmem:v43+s16+$0x0] =	vst.idx.msk $0xffff, v6  }
0x217: {  	[tilespmem:v63+s16+$0x0] =	vst.idx.msk $0xffff, v4  }
0x218: {  	[tilespmem:v41+s16+$0x0] =	vst.idx.msk $0xffff, v1;
	v1 =	vld [tilespmem:$0x1FC90];
	_ =	sdelay $0x5  }
0x219: {  	[tilespmem:v56+s16+$0x0] =	vst.idx.msk $0xffff, v15  }
0x21a: {  	[tilespmem:v48+s16+$0x0] =	vst.idx.msk $0xffff, v2  }
0x21b: {  	[tilespmem:v1+s16+$0x0] =	vst.idx.msk $0xffff, v9;
	v1 =	vld [tilespmem:$0x1FCA0];
	_ =	sdelay $0x4  }
0x21c: {  	[tilespmem:v44+s16+$0x0] =	vst.idx.msk $0xffff, v7  }
0x21d: {  	[tilespmem:v39+s16+$0x0] =	vst.idx.msk $0xffff, v16  }
0x21e: {  	[tilespmem:v50+s16+$0x0] =	vst.idx.msk $0xffff, v5  }
0x21f: {  	[tilespmem:v1+s16+$0x0] =	vst.idx.msk $0xffff, v10  }
0x220: {  	[tilespmem:v45+s16+$0x0] =	vst.idx.msk $0xffff, v3  }
0x221: {  	v1 =	vmul.f32 v31, v53;
	[tilespmem:v40+s16+$0x0] =	vst.idx.msk $0xffff, v8  }
0x222: {  	v2 =	vmul.f32 v31, v57;
	[tilespmem:v51+s16+$0x0] =	vst.idx.msk $0xffff, v0  }
0x223: {  	v0 =	vmul.f32 v31, v58;
	[tilespmem:v46+s16+$0x0] =	vst.idx.msk $0xffff, v1  }
0x224: {  	v1 =	vmul.f32 v31, v62;
	[tilespmem:v49+s16+$0x0] =	vst.idx.msk $0xffff, v2  }
0x225: {  	[tilespmem:v52+s16+$0x0] =	vst.idx.msk $0xffff, v0  }
0x226: {  	s22 =	sadd.s32 @!p0 $0x300, s22;
	s23 =	simm.s32 @!p0 $0x100;
	s24 =	simm.s32 @!p0 $0x4800;
	[tilespmem:v47+s16+$0x0] =	vst.idx.msk $0xffff, v1  }
0x227: {  	[tilespmem:s24], [sflag:$0x2] =	stream.indirect.gather @!p0 [hbm4b:s4+s23], $0x20, s22, s23, $0xb8;
	[tilespmem:$0xA800] =	vst v63  }
0x228: {  	s22 =	simm.s32 @!p1 $0x4  }
0x229: {  	_ =	swait.ge @!p1 [sflag:s22], $0x2000  }
0x22a: {  	v21 =	vld [tilespmem:$0x1FED0]  }
0x22b: {  	v22 =	vld [tilespmem:$0x1FF40]  }
0x22c: {  	v19 =	vld [tilespmem:$0x1FEB0]  }
0x22d: {  	v23 =	vld [tilespmem:$0x1FF60]  }
0x22e: {  	v20 =	vld [tilespmem:$0x1FEC0]  }
0x22f: {  	v25 =	vld [tilespmem:$0x1FEE0]  }
0x230: {  	v26 =	vld [tilespmem:$0x1FF00]  }
0x231: {  	v28 =	vld [tilespmem:$0x1FF30]  }
0x232: {  	v27 =	vld [tilespmem:$0x1FF10]  }
0x233: {  	v30 =	vld [tilespmem:$0x1FF70]  }
0x234: {  	v29 =	vld [tilespmem:$0x1FF20]  }
0x235: {  	v31 =	vld [tilespmem:$0x1FF80]  }
0x236: {  	v32 =	vld [tilespmem:$0x1FF90]  }
0x237: {  	v34 =	vld [tilespmem:$0x1FFB0]  }
0x238: {  	v33 =	vld [tilespmem:$0x1FFA0]  }
0x239: {  	v35 =	vld [tilespmem:$0x1FFC0]  }
0x23a: {  	v18 =	vld [tilespmem:$0x1FE90]  }
0x23b: {  	v48 =	vld [tilespmem:$0x1FFD0]  }
0x23c: {  	v36 =	vld [tilespmem:$0x1FE30]  }
0x23d: {  	v12 =	vld [tilespmem:$0x1FE50]  }
0x23e: {  	v50 =	vld [tilespmem:$0x1FFE0]  }
0x23f: {  	v9 =	vld [tilespmem:$0x1FEF0]  }
0x240: {  	v52 =	vld [tilespmem:$0x1FE20]  }
0x241: {  	s20 =	sadd.s32 $0x1, s20;
	v40 =	vld [tilespmem:$0x1FF50]  }
0x242: {  	p0 =	sne.s32 s20, $0x14;
	v1 =	vld [tilespmem:$0x1FE40]  }
.Ltmp4:
0x243: {  	v10 =	vld [tilespmem:$0x1FEA0];
	(pc) =	sbr.rel @p0 .LBB2_2-.Ltmp4, $4  }
0x244: {  	v11 =	vld [tilespmem:$0x1FE60]  }
0x245: {  	[sflag:s22] =	ssyncset.done @!p1 $0x0;
	v2 =	vld [tilespmem:$0x1FE70]  }
0x246: {  	s21 =	sadd.s32 s8, s21;
	v3 =	vld [tilespmem:$0x1FE80];
	[sflag:s22] =	ssyncadd.s32 @!p1 $0xFFFFE000  }
0x247: {  	v57 =	vld [tilespmem:$0x1FFF0];
	[hbm4b:s21+s3] =	stream.linear.scatter [tilespmem:s16], [sflag:$0x4], $0x2000, $0x38  }
0x248: {  	s19 =	sadd.s32 $0x1, s19  }
0x249: {  	_ =	swait.ge [sflag:s17], $0x2000;
	p0 =	sne.s32 s19, s7  }
.Ltmp5:
0x24a: {  	[sflag:s17] =	ssyncset.done $0x0;
	(pc) =	sbr.rel @p0 .LBB2_1-.Ltmp5, $4  }
0x24b: {  	[sflag:s17] =	ssyncadd.s32 $0xFFFFE000  }
0x24c: {  	_ =	swait.ge [sflag:s18], $0x2000  }
0x24d: {  	[sflag:s18] =	ssyncset.done $0x0  }
0x24e: {  	[sflag:s18] =	ssyncadd.s32 $0xFFFFE000  }
0x24f: {  	_ =	sfence.sel $0x180000  }
0x250: {  	[bflag:$0x0] =	sbarrier.arrive $0xFFFF  }
0x251: {  	p0 =	sne.s32 s0, $0x0;
	_ =	strace $0x90000047  }
0x252: {  	s0 =	sadd.s32 @!p0 $0x100000, s1;
	[bflag:$0x2] =	sbarrier.arrive $0xFFFF  }
0x253: {  	[sflag:s0] =	ssyncadd.tile.s32 @!p0 $0x1;
	_ =	shalt  }
.Lfunc_end2:
_tile_overlayer_lowered:
.L_overlay_start_2:
0x254: {  	(tag) =	ssettag $0x2  }
0x255: {  	s0 =	rddreg [dreg:$0x0];
	s2 =	stileid.u32  }
0x256: {  	s1 =	rddreg [dreg:$0x1];
	p0 =	sne.s32 s2, $0x0  }
0x257: {  	s3 =	rddreg [dreg:$0x2];
	[bflag:$0x3] =	sbarrier.arrive $0xFFFF;
	s2 =	simm.s32 @!p0 $0x1C05  }
0x258: {  	[timem:s3], [sflag:s2] =	dma.local @!p0 [hbm:s0], s1  }
0x259: {  	s0 =	simm.s32 @!p0 $0x5  }
0x25a: {  	_ =	swait.ge @!p0 [sflag:s0], s1  }
0x25b: {  	s1 =	ssub.s32 @!p0 $0x0, s1;
	[sflag:s0] =	ssyncset.done @!p0 $0x0  }
0x25c: {  	[sflag:s0] =	ssyncadd.s32 @!p0 s1  }
0x25d: {  	[bflag:$0x3] =	sbarrier.arrive $0xFFFF  }
0x25e: {  	_ =	shalt  }

// kernel: sparse-core-data-format-call.cloned.1.call-start
scs
called_computation_lowered:
.L_overlay_start_0:
0x0: {  	s2 =	sld [smem:$0x3FD9]  }
0x1: {  	s3 =	sld [smem:$0x3FFE];
	_ =	sdelay $0x1  }
0x2: {  	s1 =	srdreg.scid  }
0x3: {  	s0 =	sand.u32 $0x1, s1  }
0x4: {  	s18 =	sshll.u32 s0, $0xA;
	s2 =	sadd.s32 s3, s2  }
0x5: {  	s2 =	sadd.s32 s2, s18  }
0x6: {  	[smem:$0x3FC6] =	sst s2  }
0x7: {  	_ = 	snop  }
0x8: {  	s2 =	sld [smem:$0x3FD0];
	(tm) =	ssettm $0x1  }
0x9: {  	s19 =	sld [smem:$0x3FFB];
	_ =	sdelay $0x3  }
0xa: {  	_ =	strace s19  }
0xb: {  	s3 =	sld [smem:$0x3FFC];
	_ =	sdelay $0x3  }
0xc: {  	_ =	strace s3  }
0xd: {  	s3 =	sld [smem:$0x3FFD];
	_ =	sdelay $0x3  }
0xe: {  	_ =	strace s3  }
0xf: {  	_ =	strace $0x8FFFFFFF  }
0x10: {  	s20 =	sld [smem:$0x3FDB];
	_ =	sdelay $0x1  }
0x11: {  	s4 =	simm.s32 $_scs_section_size  }
0x12: {  	s5 =	simm.s32 $_size__tile_overlayer_lowered;
	s6 =	simm.s32 $_tile_overlayer_lowered  }
0x13: {  	s23 =	simm.s32 $0x1BFF;
	s22 =	sshll.u32 s6, $0x1;
	s3 =	sadd.s32 s4, s20  }
0x14: {  	s7 =	simm.s32 $0x0;
	s21 =	sshll.u32 s5, $0x1;
	s5 =	sadd.s32 s22, s3  }
0x15: {  	[timem:s7], [sflag:s23] =	dma.local [hbm:s5], s21  }
0x16: {  	_ =	swait.ge [sflag:s23], s21  }
0x17: {  	s4 =	ssub.s32 $0x0, s21;
	[sflag:s23] =	ssyncset.done $0x0  }
0x18: {  	[sflag:s23] =	ssyncadd.s32 s4;
	_ =	sdelay $0x1  }
0x19: {  	s24 =	simm.s32 $0x1B8B  }
0x1a: {  	_ =	swait.ge [sflag:s24], $0x1  }
0x1b: {  	[sflag:s24] =	ssyncset.done $0x0  }
0x1c: {  	s26 =	simm.s32 $0x1B8E;
	s25 =	sld [smem:$0x3FFE];
	[sflag:s24] =	ssyncadd.s32 $0xFFFFFFFF  }
0x1d: {  	s27 =	simm.s32 $execute0_lowered;
	[smem:$0x3FD2] =	sst s26  }
0x1e: {  	s5 =	sshll.u32 s27, $0x1;
	_ =	strace $0x80000049;
	[dreg:$0x1] =	wrdreg $0xFFFFFFFF  }
0x1f: {  	s28 =	simm.s32 $_size_execute0_lowered;
	s3 =	sadd.s32 s3, s5;
	[dreg:$0x0] =	wrdreg $0x0  }
0x20: {  	s5 =	sshll.u32 s28, $0x1;
	[dreg:$0x2] =	wrdreg s3  }
0x21: {  	[dreg:$0x3] =	wrdreg s5  }
0x22: {  	[dreg:$0x4] =	wrdreg $0xC0  }
0x23: {  	_ =	task [dreg:s7], $0x5FFFF  }
0x24: {  	[dreg:$0x1] =	wrdreg $0xFFFFFFFF  }
0x25: {  	[dreg:$0x0] =	wrdreg $0x60  }
0x26: {  	[dreg:$0x2] =	wrdreg s25  }
0x27: {  	[dreg:$0x3] =	wrdreg s2  }
0x28: {  	[dreg:$0x4] =	wrdreg $0x9  }
0x29: {  	_ =	task.clear_ibuf [dreg:s7], $0x5FFFF;
	_ =	strace $0x90000049  }
0x2a: {  	s29 =	simm.s32 $0x9;
	_ =	strace $0x8000004B  }
0x2b: {  	_ =	swait.ge [sflag:s29], $0x1  }
0x2c: {  	[sflag:s29] =	ssyncadd.s32 $0xFFFFFFFF  }
0x2d: {  	_ =	strace $0x9000004B  }
0x2e: {  	_ =	sfence  }
0x2f: {  	s30 =	sld [smem:$0x0];
	_ =	sdelay $0x2  }
0x30: {  	s31 =	sshll.u32 s1, $0xD;
	s1 =	sshrl.u32 s1, $0x2  }
0x31: {  	s3 =	sand.u32 $0x4000, s31;
	s1 =	sadd.s32 s1, s30  }
0x32: {  	s0 =	sor.u32 s3, s0;
	s1 =	sshll.u32 s1, $0x11  }
0x33: {  	s0 =	sor.u32 s1, s0  }
0x34: {  	s0 =	sadd.s32 $0x8F2B, s0  }
0x35: {  	[sflag:s0] =	ssyncadd.remote.s32 $0x1  }
0x36: {  	_ =	sfence.sel $0xFFFF  }
0x37: {  	[dreg:$0x0] =	wrdreg $0xFFFFFFFF;
	(pc) =	sbr.abs _section_cstart, $3  }
0x38: {  	[dreg:$0x1] =	wrdreg $0xFFFFFFFF  }
0x39: {  	_ =	task.clear_ibuf [dreg:s7], $0x2FFFF;
	_ =	strace $0x9FFFFFFF  }
0x3a: {  	(tm) =	ssettm $0x7FFFFFFF  }
0x3b: {  	_ =	shalt  }
tec
execute0_lowered:
.L_overlay_start_1:
0x0: {  	(tag) =	ssettag $0x1  }
0x1: {  	s0 =	srdreg.scid  }
0x2: {  	s1 =	sshll.u32 s0, $0x4  }
0x3: {  	s4 =	rddreg [dreg:$0x0];
	s0 =	stileid.u32;
	s1 =	sand.u32 $0x10, s1  }
0x4: {  	s2 =	rddreg [dreg:$0x1];
	s7 =	simm.s32 $0x1;
	s1 =	sor.u32 s0, s1  }
0x5: {  	s8 =	simm.s32 $0x2;
	s11 =	simm.s32 $0x0;
	s3 =	sshll.u32 s1, $0x7  }
0x6: {  	s10 =	simm.s32 $0x0;
	s4 =	sadd.s32 $0xA00, s4;
	s6 =	ssub.s32 $0x50000, s3  }
.Ltmp0:
0x7: {  	s1 =	rddreg [dreg:$0x2];
	s5 =	sand.u32 $0xF80, s6;
	(pc) =	sbr.rel .LBB1_1-.Ltmp0, $4  }
0x8: {  	_ =	strace $0x8000004A;
	s9 =	smov.u32 s3;
	p0 =	sne.s32 s5, $0x0  }
0x9: {  	s6 =	sshrl.u32 s6, $0xC;
	s5 =	simm.s32 $0x1;
	s7 =	simm.s32 @!p0 $0x0  }
0xa: {  	[sflag:s5] =	ssyncpa.u1 $0x0;
	p0 =	por $0x0, $0x0;
	s6 =	sadd.s32 s7, s6  }
0xb: {  	[sflag:s8] =	ssyncpa.u1 $0x0;
	s8 =	simm.s32 $0x280000;
	s7 =	sadd.s32 $0x1, s6  }
.LBB1_4:
0xc: {  	s14 =	sshll.u32 s11, $0x3  }
0xd: {  	s30 =	sand.u32 $0x7F, s11;
	s15 =	sand.u32 $0xFFFFFC00, s14  }
0xe: {  	s11 =	sor.u32 s30, s15  }
0xf: {  	s15 =	smulhi.u32 $0xCCCCCCCD, s11  }
0x10: {  	s14 =	smulhi.u32 $0xCCCCCCCD, s14  }
0x11: {  	s15 =	sshrl.u32 s15, $0x12  }
0x12: {  	s14 =	sshrl.u32 s14, $0x12;
	s15 =	smul.u32 $0x50000, s15  }
0x13: {  	s14 =	sand.u32 $0x1F, s14  }
0x14: {  	s14 =	smul.u32 $0xA000, s14;
	s11 =	ssub.s32 s11, s15  }
0x15: {  	s15 =	sand.u32 $0x7, s11  }
0x16: {  	s14 =	sadd.s32 s2, s14;
	s11 =	sshrl.u32 s11, $0x3;
	s15 =	sshll.u32 s15, $0x12  }
0x17: {  	[tilespmem:s13+$0x0 ss:$0x81] =	vst.msk $0xffff, v0;
	s11 =	sadd.s32 s11, s14;
	s31 =	sor.u32 $0x400, s15  }
0x18: {  	[hbm4b:s11+s31] =	stream.strided.scatter [tilespmem:s12], [sflag:$0x2], $0x1000, s8, s31, $0x20;
	[tilespmem:$0x4040] =	vst v63  }
.LBB1_5:
0x19: {  	s13 =	sadd.s32 $0x1000, s9  }
0x1a: {  	p2 =	sgt.s32 s13, $0x4FFFF  }
0x1b: {  	s13 =	smov.u32 @p2 s3;
	p2 =	sne.s32 s10, s7  }
.Ltmp1:
0x1c: {  	p1 =	slt.u32 s10, $0x2;
	(pc) =	sbr.rel @!p2 .LBB1_6-.Ltmp1, $4  }
0x1d: {  	s12 =	simm.s32 @!p1 $0x2  }
0x1e: {  	s14 =	sadd.s32 $0x1, s10;
	_ =	swait.ge @!p1 [sflag:s12], $0x1000  }
0x1f: {  	s11 =	smov.u32 s9;
	p0 =	por !p0, !p0;
	[sflag:s12] =	ssyncset.done @!p1 $0x0  }
0x20: {  	s10 =	smov.u32 s14;
	s9 =	smov.u32 s13;
	[sflag:s12] =	ssyncadd.s32 @!p1 $0xFFFFF000  }
.LBB1_1:
0x21: {  	p1 =	sge.u32 s10, s6  }
0x22: {  	s12 =	sand.u32 @!p1 $0x1FFFFFF, s9  }
0x23: {  	s13 =	smulhi.u32 @!p1 $0xCCCCCD, s12;
	_ =	sdelay $0x1  }
0x24: {  	s13 =	sshrl.u32 @!p1 s13, $0xA  }
0x25: {  	s13 =	smul.u32 @!p1 $0x50000, s13;
	_ =	sdelay $0x1  }
0x26: {  	s31 =	sadd.s32 $0xFFFFFFFF, s10;
	s14 =	sxor.u32 @!p1 $0xFFFFFFFF, s10;
	s12 =	ssub.s32 @!p1 s12, s13  }
0x27: {  	s15 =	simm.s32 @!p1 $0x80;
	s14 =	sshll.u32 @!p1 s14, $0xC;
	s12 =	sshll.u32 @!p1 s12, $0x4  }
0x28: {  	s13 =	sand.u32 @!p1 $0x1000, s14;
	s14 =	simm.s32 @!p1 $0x20;
	s12 =	sadd.s32 @!p1 s4, s12  }
0x29: {  	[tilespmem:s13], [sflag:$0x1] =	stream.strided.gather @!p1 [hbm4b:s12+s14], $0x1000, s15, s14, $0x38;
	[tilespmem:$0x4040] =	vst v63  }
0x2a: {  	p1 =	sge.u32 s31, s6  }
.Ltmp2:
0x2b: {  	_ = 	snop;
	(pc) =	sbr.rel @p1 .LBB1_5-.Ltmp2, $1  }
0x2c: {  	_ =	sdelay $0x3  }
0x2d: {  	s12 =	simm.s32 $0x1  }
0x2e: {  	_ =	swait.ge [sflag:s5], $0x1000;
	s12 =	simm.s32 @!p0 $0x0  }
0x2f: {  	[sflag:s5] =	ssyncset.done $0x0;
	s13 =	sshll.u32 s12, $0xC  }
0x30: {  	[sflag:s5] =	ssyncadd.s32 $0xFFFFF000;
	s16 =	sor.u32 $0x10, s13  }
0x31: {  	s12 =	smul.u32 $0x4080, s12;
	v1 =	vld [tilespmem:s16+$0x0]  }
0x32: {  	s30 =	sand.u32 $0x1, s10;
	v0 =	vld [tilespmem:s16+$0xFFFFFFF0]  }
0x33: {  	s13 =	smul.u32 $0x4080, s30;
	s12 =	sshrl.u32 s12, $0x2  }
0x34: {  	s14 =	sor.u32 $0x2000, s12  }
0x35: {  	s31 =	sshrl.u32 s13, $0x2;
	s13 =	sadd.s32 $0x0, s14  }
0x36: {  	s15 =	simm.s32 $0x4;
	s16 =	sadd.s32 $0x20, s16;
	s12 =	sor.u32 $0x2000, s31;
	[tilespmem:s13+$0x810 ss:$0x81] =	vst.msk $0xffff, v1  }
.LBB1_3:
0x37: {  	v1 =	vld [tilespmem:s16+$0x0];
	p1 =	sne.s32 s15, $0x1FC;
	[tilespmem:s13+$0x0 ss:$0x81] =	vst.msk $0xffff, v0;
	s13 =	smov.u32 s15;
	s15 =	sadd.s32 $0x4, s15  }
.Ltmp3:
0x38: {  	v0 =	vld [tilespmem:s16+$0xFFFFFFF0];
	(pc) =	sbr.rel @p1 .LBB1_3-.Ltmp3, $4  }
0x39: {  	_ = 	snop  }
0x3a: {  	s13 =	sshra.s32 s13, $0x2  }
0x3b: {  	s13 =	sadd.s32 s13, s14  }
0x3c: {  	s16 =	sadd.s32 $0x20, s16;
	[tilespmem:s13+$0x810 ss:$0x81] =	vst.msk $0xffff, v1  }
.Ltmp4:
0x3d: {  	_ = 	snop;
	(pc) =	sbr.rel .LBB1_4-.Ltmp4, $1  }
0x3e: {  	_ =	sdelay $0x3  }
.LBB1_6:
0x3f: {  	_ =	sfence.sel $0x180000  }
0x40: {  	s2 =	simm.s32 $0x1;
	[bflag:$0x0] =	sbarrier.arrive $0xFFFF  }
0x41: {  	s31 =	simm.s32 $0x2;
	[sflag:s2] =	ssyncpa.u1 $0x1  }
0x42: {  	[sflag:s31] =	ssyncpa.u1 $0x1  }
0x43: {  	p0 =	sne.s32 s0, $0x0;
	_ =	strace $0x9000004A  }
0x44: {  	s0 =	sadd.s32 @!p0 $0x100000, s1;
	[bflag:$0x2] =	sbarrier.arrive $0xFFFF  }
0x45: {  	[sflag:s0] =	ssyncadd.tile.s32 @!p0 $0x1;
	_ =	shalt  }
.Lfunc_end1:
_tile_overlayer_lowered:
.L_overlay_start_2:
0x46: {  	(tag) =	ssettag $0x2  }
0x47: {  	s0 =	rddreg [dreg:$0x0];
	s2 =	stileid.u32  }
0x48: {  	s1 =	rddreg [dreg:$0x1];
	p0 =	sne.s32 s2, $0x0  }
0x49: {  	s3 =	rddreg [dreg:$0x2];
	[bflag:$0x3] =	sbarrier.arrive $0xFFFF;
	s2 =	simm.s32 @!p0 $0x1C01  }
0x4a: {  	[timem:s3], [sflag:s2] =	dma.local @!p0 [hbm:s0], s1  }
0x4b: {  	s0 =	simm.s32 @!p0 $0x1  }
0x4c: {  	_ =	swait.ge @!p0 [sflag:s0], s1  }
0x4d: {  	s1 =	ssub.s32 @!p0 $0x0, s1;
	[sflag:s0] =	ssyncset.done @!p0 $0x0  }
0x4e: {  	[sflag:s0] =	ssyncadd.s32 @!p0 s1  }
0x4f: {  	[bflag:$0x3] =	sbarrier.arrive $0xFFFF  }
0x50: {  	_ =	shalt  }

</sc_bundles>
